<compile_context>
chip_gen: v7x
topology: tpu7x:2x2x1
jax: 0.10.2.dev20260603
libtpu: 0.0.44.dev20260713+nightly
codegen_flags: <defaults>
</compile_context>

<pallas_src>
import functools

import jax
import jax.numpy as jnp
from jax import lax
from jax.experimental import pallas as pl
from jax.experimental.pallas import tpu as pltpu
from jax.experimental.pallas import tpu_sc as plsc

NC = 2
NS = 16
NW = NC * NS
CH = 128
NPAD = 512



def _tile_node_range(s, n, body):
    base = (n // NS) // 8 * 8
    last = n - base * (NS - 1)

    @pl.when(s < NS - 1)
    def _():
        body(pl.multiple_of(s * base, 8), base)

    @pl.when(s == NS - 1)
    def _():
        body((NS - 1) * base, last)


def _sc_degrees(idx_flat, ones1, zeros1, n_pad):
    ept2 = idx_flat.shape[0] // NW
    cpt2 = ept2 // CH
    n2 = 2 * n_pad

    mesh = plsc.VectorSubcoreMesh(core_axis_name="c", subcore_axis_name="s")
    K = 4
    assert cpt2 % (2 * K) == 0
    nj = cpt2 // (2 * K)

    ix_scratch = {f"ix{b}{m}": pltpu.VMEM((CH,), jnp.int32)
                  for b in range(2) for m in range(K)}
    sem_scratch = {f"sx{b}{m}": pltpu.SemaphoreType.DMA
                   for b in range(2) for m in range(K)}
    sem_scratch.update({f"ss{b}{m}": pltpu.SemaphoreType.DMA
                        for b in range(2) for m in range(K)})

    @functools.partial(
        pl.kernel,
        mesh=mesh,
        out_type=jax.ShapeDtypeStruct((NC * n2,), jnp.float32),
        scratch_types=dict(
            ones_v=pltpu.VMEM((CH,), jnp.float32),
            zb=pltpu.VMEM((n2 - (NS - 1) * ((n2 // NS) // 8 * 8),),
                          jnp.float32),
            degs_sh=pltpu.VMEM_SHARED((n2,), jnp.float32),
            **ix_scratch,
            **sem_scratch,
        ),
    )
    def deg_kernel(idx_hbm, ones_hbm, z1_hbm, degs_hbm,
                   ones_v, zb, degs_sh, **refs):
        c = lax.axis_index("c")
        s = lax.axis_index("s")
        wid = c * NS + s
        ebase = wid * ept2
        ix = [[refs[f"ix{b}{m}"] for m in range(K)] for b in range(2)]
        sx = [[refs[f"sx{b}{m}"] for m in range(K)] for b in range(2)]
        ss = [[refs[f"ss{b}{m}"] for m in range(K)] for b in range(2)]
        pltpu.sync_copy(ones_hbm, ones_v)

        def zero_rows(r0, npt):
            pltpu.sync_copy(z1_hbm.at[pl.ds(r0, npt)], zb.at[pl.ds(0, npt)])
            pltpu.sync_copy(zb.at[pl.ds(0, npt)], degs_sh.at[pl.ds(r0, npt)])

        _tile_node_range(s, n2, zero_rows)
        plsc.subcore_barrier()

        def load_ix(chunk, b, m):
            pltpu.async_copy(idx_hbm.at[pl.ds(ebase + chunk * CH, CH)],
                             ix[b][m], sx[b][m])

        def wait_ix(chunk, b, m):
            pltpu.make_async_copy(idx_hbm.at[pl.ds(ebase + chunk * CH, CH)],
                                  ix[b][m], sx[b][m]).wait()

        def fire_scat(b, m):
            pltpu.async_copy(ones_v, degs_sh.at[ix[b][m]], ss[b][m],
                             add=True)

        def drain_scat(b, m):
            pltpu.make_async_copy(ones_v, degs_sh.at[ix[b][m]],
                                  ss[b][m]).wait()

        for m in range(K):
            load_ix(m, 0, m)

        def step(j, carry):
            c0 = 2 * K * j
            for m in range(K):
                wait_ix(c0 + m, 0, m)
                fire_scat(0, m)
            for m in range(K):
                load_ix(c0 + K + m, 1, m)
            for m in range(K):
                drain_scat(0, m)

                @pl.when(j < nj - 1)
                def _():
                    load_ix(c0 + 2 * K + m, 0, m)

            for m in range(K):
                wait_ix(c0 + K + m, 1, m)
                fire_scat(1, m)
            for m in range(K):
                drain_scat(1, m)
            return carry

        lax.fori_loop(0, nj, step, 0)
        plsc.subcore_barrier()

        def write_rows(r0, npt):
            pltpu.sync_copy(degs_sh.at[pl.ds(r0, npt)], zb.at[pl.ds(0, npt)])
            pltpu.sync_copy(zb.at[pl.ds(0, npt)],
                            degs_hbm.at[pl.ds(c * n2 + r0, npt)])

        _tile_node_range(s, n2, write_rows)

    return deg_kernel(idx_flat, ones1, zeros1)


def _sc_segsum(h_pad, src2, dst_flat, zeros, n_pad, d):
    n_chunks, ch = src2.shape
    cpt = n_chunks // NW

    mesh = plsc.VectorSubcoreMesh(core_axis_name="c", subcore_axis_name="s")

    @functools.partial(
        pl.kernel,
        mesh=mesh,
        out_type=jax.ShapeDtypeStruct((NC * n_pad, d), jnp.float32),
        scratch_types=dict(
            isrc=pltpu.VMEM((cpt, ch), jnp.int32),
            ixa=pltpu.VMEM((ch,), jnp.int32),
            ixb=pltpu.VMEM((ch,), jnp.int32),
            rows_a=pltpu.VMEM((ch, d), jnp.float32),
            rows_b=pltpu.VMEM((ch, d), jnp.float32),
            acc_sh=pltpu.VMEM_SHARED((n_pad, d), jnp.float32),
            sem_a=pltpu.SemaphoreType.DMA,
            sem_b=pltpu.SemaphoreType.DMA,
            sxa=pltpu.SemaphoreType.DMA,
            sxb=pltpu.SemaphoreType.DMA,
        ),
    )
    def seg_kernel(h_hbm, src_hbm, dstf_hbm, z_hbm, out_hbm,
                   isrc, ixa, ixb, rows_a, rows_b, acc_sh,
                   sem_a, sem_b, sxa, sxb):
        c = lax.axis_index("c")
        s = lax.axis_index("s")
        wid = c * NS + s
        row0 = wid * cpt
        ebase = wid * cpt * ch
        pltpu.sync_copy(src_hbm.at[pl.ds(row0, cpt)], isrc)

        def load_ix(i, ix, sx):
            pltpu.async_copy(dstf_hbm.at[pl.ds(ebase + i * ch, ch)], ix, sx)

        def wait_ix(i, ix, sx):
            pltpu.make_async_copy(dstf_hbm.at[pl.ds(ebase + i * ch, ch)],
                                  ix, sx).wait()

        load_ix(0, ixa, sxa)
        load_ix(1, ixb, sxb)
        pltpu.async_copy(h_hbm.at[isrc.at[0]], rows_a, sem_a)
        _tile_node_range(s, n_pad, lambda r0, npt: pltpu.sync_copy(
            z_hbm.at[pl.ds(r0, npt)], acc_sh.at[pl.ds(r0, npt)]))
        plsc.subcore_barrier()

        def do_chunk(i, rows, sem, ix, sx):
            wait_ix(i, ix, sx)
            pltpu.make_async_copy(h_hbm.at[isrc.at[i]], rows, sem).wait()
            pltpu.sync_copy(rows, acc_sh.at[ix], add=True)

            @pl.when(i + 2 < cpt)
            def _():
                load_ix(i + 2, ix, sx)

        def step(j, carry):
            i0 = 2 * j
            pltpu.async_copy(h_hbm.at[isrc.at[i0 + 1]], rows_b, sem_b)
            do_chunk(i0, rows_a, sem_a, ixa, sxa)

            @pl.when(j < cpt // 2 - 1)
            def _():
                pltpu.async_copy(h_hbm.at[isrc.at[i0 + 2]], rows_a, sem_a)

            do_chunk(i0 + 1, rows_b, sem_b, ixb, sxb)
            return carry

        lax.fori_loop(0, cpt // 2, step, 0)
        plsc.subcore_barrier()
        _tile_node_range(s, n_pad, lambda r0, npt: pltpu.sync_copy(
            acc_sh.at[pl.ds(r0, npt)],
            out_hbm.at[pl.ds(c * n_pad + r0, npt)]))

    return seg_kernel(h_pad, src2, dst_flat, zeros)



def _norms(degblk):
    ns = lax.rsqrt(jnp.clip(degblk[0] + degblk[1], 1.0, None))
    nd = lax.rsqrt(jnp.clip(degblk[2] + degblk[3], 1.0, None))
    return ns, nd


def _tc_prescale(y, w, degs_tc, n, d, bn, n_out):
    def body(deg_ref, x_ref, w_ref, o_ref):
        ns, _ = _norms(deg_ref[0])
        o_ref[...] = jnp.dot(x_ref[...], w_ref[...],
                             preferred_element_type=jnp.float32) * ns[:, None]

    return pl.pallas_call(
        body,
        grid=(n // bn,),
        in_specs=[
            pl.BlockSpec((1, 4, bn), lambda i: (i, 0, 0)),
            pl.BlockSpec((bn, d), lambda i: (i, 0)),
            pl.BlockSpec((d, d), lambda i: (0, 0)),
        ],
        out_specs=pl.BlockSpec((bn, d), lambda i: (i, 0)),
        out_shape=jax.ShapeDtypeStruct((n_out, d), jnp.float32),
    )(degs_tc, y, w)


def _tc_mid(part, degs_tc, w2, b1, n, d, bn, n_out):
    def body(p_ref, deg_ref, w_ref, b_ref, o_ref):
        ns, nd = _norms(deg_ref[0])
        h2 = jnp.maximum((p_ref[0] + p_ref[1]) * nd[:, None] + b_ref[...],
                         0.0)
        o_ref[...] = jnp.dot(
            h2, w_ref[...], preferred_element_type=jnp.float32) * ns[:, None]

    return pl.pallas_call(
        body,
        grid=(n // bn,),
        in_specs=[
            pl.BlockSpec((NC, bn, d), lambda i: (0, i, 0)),
            pl.BlockSpec((1, 4, bn), lambda i: (i, 0, 0)),
            pl.BlockSpec((d, d), lambda i: (0, 0)),
            pl.BlockSpec((1, d), lambda i: (0, 0)),
        ],
        out_specs=pl.BlockSpec((bn, d), lambda i: (i, 0)),
        out_shape=jax.ShapeDtypeStruct((n_out, d), jnp.float32),
    )(part, degs_tc, w2, b1)


def _tc_final(part, degs_tc, b, n, d, bn):
    def body(p_ref, deg_ref, b_ref, o_ref):
        _, nd = _norms(deg_ref[0])
        o_ref[...] = (p_ref[0] + p_ref[1]) * nd[:, None] + b_ref[...]

    return pl.pallas_call(
        body,
        grid=(n // bn,),
        in_specs=[
            pl.BlockSpec((NC, bn, d), lambda i: (0, i, 0)),
            pl.BlockSpec((1, 4, bn), lambda i: (i, 0, 0)),
            pl.BlockSpec((1, d), lambda i: (0, 0)),
        ],
        out_specs=pl.BlockSpec((bn, d), lambda i: (i, 0)),
        out_shape=jax.ShapeDtypeStruct((n, d), jnp.float32),
    )(part, degs_tc, b)



def _pad_edges(idx, e_pad, n):
    pad = e_pad - idx.shape[0]
    pidx = (n + (jnp.arange(pad, dtype=jnp.int32) % NPAD)).astype(idx.dtype)
    return jnp.concatenate([idx, pidx])


def kernel(feat, edge_index, W1, b1, W2, b2):
    n, d = feat.shape
    e = edge_index.shape[1]
    n_pad = n + NPAD

    cpt = -(-e // (NW * CH))
    cpt += cpt % 2
    e_pad = NW * cpt * CH

    src_flat = _pad_edges(edge_index[0], e_pad, n)
    dst_flat = _pad_edges(edge_index[1], e_pad, n)
    src2 = src_flat.reshape(e_pad // CH, CH)
    dst2 = dst_flat.reshape(e_pad // CH, CH)
    idx_flat = jnp.stack([src2, dst2 + n_pad], axis=1).reshape(-1)
    zeros = jnp.zeros((n_pad, d), jnp.float32)
    zeros1 = jnp.zeros((2 * n_pad,), jnp.float32)
    ones1 = jnp.ones((CH,), jnp.float32)
    b1r = b1.reshape(1, d)
    b2r = b2.reshape(1, d)

    bn = 2000
    degs = _sc_degrees(idx_flat, ones1, zeros1, n_pad).reshape(NC, 2, n_pad)
    degs_tc = (degs[:, :, :n].transpose(1, 0, 2).reshape(4, n // bn, bn)
               .transpose(1, 0, 2))

    h1p = _tc_prescale(feat, W1, degs_tc, n, d, bn, n_pad)
    p1 = _sc_segsum(h1p, src2, dst_flat, zeros, n_pad, d)
    p1 = p1.reshape(NC, n_pad, d)
    q2p = _tc_mid(p1, degs_tc, W2, b1r, n, d, bn, n_pad)
    p2 = _sc_segsum(q2p, src2, dst_flat, zeros, n_pad, d)
    p2 = p2.reshape(NC, n_pad, d)
    out = _tc_final(p2, degs_tc, b2r, n, d, bn)
    return out

# --- scband reference (transcript-rebuilt; emitter-appended) ---
"""Pipeline reference for scband-net-59871844106652 (READ-ONLY COPY).

The authoritative reference and input builder live on the scoring server;
editing this copy changes nothing except your own understanding.
"""

import jax, jax.numpy as jnp
import numpy as np

N = 10000
E = 320000
D_IN = 128
D_HID = 128
D_OUT = 128


def setup_inputs(seed: int = 0) -> dict:
    key = jax.random.key(seed)
    k1, k2, k3, k4, k5, k6 = jax.random.split(key, 6)
    feat = jax.random.normal(k1, (N, D_IN), dtype=jnp.float32)
    edge_index = jax.random.randint(k2, (2, E), 0, N)
    W1 = jax.random.normal(k3, (D_IN, D_HID), dtype=jnp.float32) * 0.05
    b1 = jnp.zeros((D_HID,), dtype=jnp.float32)
    W2 = jax.random.normal(k4, (D_HID, D_OUT), dtype=jnp.float32) * 0.05
    b2 = jnp.zeros((D_OUT,), dtype=jnp.float32)
    return {"feat": feat, "edge_index": edge_index, "W1": W1, "b1": b1, "W2": W2, "b2": b2}


def _graph_conv_both(x, W, b, src, dst):
    # DGL GraphConv with norm='both', allow_zero_in_degree=True.
    # in_feats <= out_feats, so aggregate first, then apply weight.
    ones = jnp.ones((E,), dtype=jnp.float32)
    deg_out = jax.ops.segment_sum(ones, src, num_segments=N)
    deg_in = jax.ops.segment_sum(ones, dst, num_segments=N)
    norm_src = jnp.power(jnp.clip(deg_out, 1.0, None), -0.5)
    norm_dst = jnp.power(jnp.clip(deg_in, 1.0, None), -0.5)
    h = x * norm_src[:, None]
    msg = jnp.take(h, src, axis=0)
    agg = jax.ops.segment_sum(msg, dst, num_segments=N)
    agg = agg * norm_dst[:, None]
    return agg @ W + b


def reference(feat, edge_index, W1, b1, W2, b2):
    src = edge_index[0]
    dst = edge_index[1]
    h = _graph_conv_both(feat, W1, b1, src, dst)
    h = jax.nn.relu(h)
    h = _graph_conv_both(h, W2, b2, src, dst)
    return h

if __name__ == "__main__":
    import jax
    _d = setup_inputs()
    print(jax.jit(kernel)(*tuple(_d.values())))

</pallas_src>

<mosaic_0001>
#map = affine_map<(d0, d1) -> (0)>
module attributes {stable_mosaic.version = 14 : i64} {
  func.func @deg_kernel(%arg0: i32, %arg1: i32, %arg2: memref<655360xi32, #tpu.memory_space<hbm>>, %arg3: memref<128xf32, #tpu.memory_space<hbm>>, %arg4: memref<21024xf32, #tpu.memory_space<hbm>>, %arg5: memref<42048xf32, #tpu.memory_space<hbm>>, %arg6: memref<21024xf32, #tpu.memory_space<vmem_shared>>, %arg7: memref<128xi32, #tpu.memory_space<vmem>>, %arg8: memref<128xi32, #tpu.memory_space<vmem>>, %arg9: memref<128xi32, #tpu.memory_space<vmem>>, %arg10: memref<128xi32, #tpu.memory_space<vmem>>, %arg11: memref<128xi32, #tpu.memory_space<vmem>>, %arg12: memref<128xi32, #tpu.memory_space<vmem>>, %arg13: memref<128xi32, #tpu.memory_space<vmem>>, %arg14: memref<128xi32, #tpu.memory_space<vmem>>, %arg15: memref<128xf32, #tpu.memory_space<vmem>>, %arg16: memref<!tpu.dma_semaphore, #tpu.memory_space<semaphore_mem>>, %arg17: memref<!tpu.dma_semaphore, #tpu.memory_space<semaphore_mem>>, %arg18: memref<!tpu.dma_semaphore, #tpu.memory_space<semaphore_mem>>, %arg19: memref<!tpu.dma_semaphore, #tpu.memory_space<semaphore_mem>>, %arg20: memref<!tpu.dma_semaphore, #tpu.memory_space<semaphore_mem>>, %arg21: memref<!tpu.dma_semaphore, #tpu.memory_space<semaphore_mem>>, %arg22: memref<!tpu.dma_semaphore, #tpu.memory_space<semaphore_mem>>, %arg23: memref<!tpu.dma_semaphore, #tpu.memory_space<semaphore_mem>>, %arg24: memref<!tpu.dma_semaphore, #tpu.memory_space<semaphore_mem>>, %arg25: memref<!tpu.dma_semaphore, #tpu.memory_space<semaphore_mem>>, %arg26: memref<!tpu.dma_semaphore, #tpu.memory_space<semaphore_mem>>, %arg27: memref<!tpu.dma_semaphore, #tpu.memory_space<semaphore_mem>>, %arg28: memref<!tpu.dma_semaphore, #tpu.memory_space<semaphore_mem>>, %arg29: memref<!tpu.dma_semaphore, #tpu.memory_space<semaphore_mem>>, %arg30: memref<!tpu.dma_semaphore, #tpu.memory_space<semaphore_mem>>, %arg31: memref<!tpu.dma_semaphore, #tpu.memory_space<semaphore_mem>>, %arg32: memref<1344xf32, #tpu.memory_space<vmem>>) attributes {dimension_semantics = [#tpu.dimension_semantics<core_parallel>, #tpu.dimension_semantics<subcore_parallel>], iteration_bounds = array<i64: 2, 16>, scalar_prefetch = 0 : i64, scratch_operands = 27 : i64, tpu.core_type = #tpu.core_type<sc_vector_subcore>, window_params = [{transform_indices = #map}, {transform_indices = #map}, {transform_indices = #map}, {transform_indices = #map}]} {
    %mul3A = arith.constant 16 : i32
    %mul3A_0 = arith.muli %arg0, %mul3A : i32
    %add3A = arith.addi %mul3A_0, %arg1 : i32
    %mul3A_1 = arith.constant 20480 : i32
    %mul3A_2 = arith.muli %add3A, %mul3A_1 : i32
    "tpu.region"() ({
      %run_scoped3A = tpu.sem_alloc : memref<!tpu.dma_semaphore, #tpu.memory_space<semaphore_mem>>
      tpu.enqueue_dma source(%arg3 : memref<128xf32, #tpu.memory_space<hbm>>) target(%arg15 : memref<128xf32, #tpu.memory_space<vmem>>) target_semaphore(%run_scoped3A : memref<!tpu.dma_semaphore, #tpu.memory_space<semaphore_mem>>)
      tpu.wait_dma2 semaphore(%run_scoped3A : memref<!tpu.dma_semaphore, #tpu.memory_space<semaphore_mem>>) src(%arg3 : memref<128xf32, #tpu.memory_space<hbm>>) dst(%arg15 : memref<128xf32, #tpu.memory_space<vmem>>)
      tpu.yield
    }) : () -> ()
    %lt3A = arith.constant 15 : i32
    %lt3A_3 = arith.cmpi slt, %arg1, %lt3A : i32
    %convert_element_type3A = arith.extui %lt3A_3 : i1 to i32
    %cond3A = arith.constant 0 : i32
    %cond3A_4 = arith.cmpi ne, %convert_element_type3A, %cond3A : i32
    scf.if %cond3A_4 {
      %mul3A_40 = arith.constant 1312 : i32
      %mul3A_41 = arith.muli %arg1, %mul3A_40 : i32
      %multiple_of3A = tpu.assume_multiple %mul3A_41, 8 : i32
      "tpu.region"() ({
        %run_scoped3A = tpu.sem_alloc : memref<!tpu.dma_semaphore, #tpu.memory_space<semaphore_mem>>
        %dma_start3A_42 = arith.constant 0 : i32
        %dma_start3A_43 = tpu.memref_slice %arg32[%dma_start3A_42] : memref<1344xf32, #tpu.memory_space<vmem>> -> memref<1312xf32, #tpu.memory_space<vmem>>
        %dma_start3A_44 = tpu.memref_slice %arg4[%multiple_of3A] : memref<21024xf32, #tpu.memory_space<hbm>> -> memref<1312xf32, #tpu.memory_space<hbm>>
        %dma_start3A_45 = arith.constant 0 : i32
        %dma_start3A_46 = tpu.memref_slice %arg32[%dma_start3A_45] : memref<1344xf32, #tpu.memory_space<vmem>> -> memref<1312xf32, #tpu.memory_space<vmem>>
        %dma_start3A_47 = tpu.memref_slice %arg4[%multiple_of3A] : memref<21024xf32, #tpu.memory_space<hbm>> -> memref<1312xf32, #tpu.memory_space<hbm>>
        tpu.enqueue_dma source(%dma_start3A_47 : memref<1312xf32, #tpu.memory_space<hbm>>) target(%dma_start3A_46 : memref<1312xf32, #tpu.memory_space<vmem>>) target_semaphore(%run_scoped3A : memref<!tpu.dma_semaphore, #tpu.memory_space<semaphore_mem>>)
        %dma_wait3A = arith.constant 0 : i32
        %dma_wait3A_48 = tpu.memref_slice %arg32[%dma_wait3A] : memref<1344xf32, #tpu.memory_space<vmem>> -> memref<1312xf32, #tpu.memory_space<vmem>>
        %dma_wait3A_49 = tpu.memref_slice %arg4[%multiple_of3A] : memref<21024xf32, #tpu.memory_space<hbm>> -> memref<1312xf32, #tpu.memory_space<hbm>>
        %dma_wait3A_50 = arith.constant 0 : i32
        %dma_wait3A_51 = tpu.memref_slice %arg32[%dma_wait3A_50] : memref<1344xf32, #tpu.memory_space<vmem>> -> memref<1312xf32, #tpu.memory_space<vmem>>
        %dma_wait3A_52 = tpu.memref_slice %arg4[%multiple_of3A] : memref<21024xf32, #tpu.memory_space<hbm>> -> memref<1312xf32, #tpu.memory_space<hbm>>
        tpu.wait_dma2 semaphore(%run_scoped3A : memref<!tpu.dma_semaphore, #tpu.memory_space<semaphore_mem>>) src(%dma_wait3A_52 : memref<1312xf32, #tpu.memory_space<hbm>>) dst(%dma_wait3A_51 : memref<1312xf32, #tpu.memory_space<vmem>>)
        tpu.yield
      }) : () -> ()
      "tpu.region"() ({
        %run_scoped3A = tpu.sem_alloc : memref<!tpu.dma_semaphore, #tpu.memory_space<semaphore_mem>>
        %dma_start3A_42 = arith.constant 0 : i32
        %dma_start3A_43 = tpu.memref_slice %arg32[%dma_start3A_42] : memref<1344xf32, #tpu.memory_space<vmem>> -> memref<1312xf32, #tpu.memory_space<vmem>>
        %dma_start3A_44 = tpu.memref_slice %arg6[%multiple_of3A] : memref<21024xf32, #tpu.memory_space<vmem_shared>> -> memref<1312xf32, #tpu.memory_space<vmem_shared>>
        %dma_start3A_45 = tpu.memref_slice %arg6[%multiple_of3A] : memref<21024xf32, #tpu.memory_space<vmem_shared>> -> memref<1312xf32, #tpu.memory_space<vmem_shared>>
        %dma_start3A_46 = arith.constant 0 : i32
        %dma_start3A_47 = tpu.memref_slice %arg32[%dma_start3A_46] : memref<1344xf32, #tpu.memory_space<vmem>> -> memref<1312xf32, #tpu.memory_space<vmem>>
        tpu.enqueue_dma source(%dma_start3A_47 : memref<1312xf32, #tpu.memory_space<vmem>>) target(%dma_start3A_45 : memref<1312xf32, #tpu.memory_space<vmem_shared>>) target_semaphore(%run_scoped3A : memref<!tpu.dma_semaphore, #tpu.memory_space<semaphore_mem>>)
        %dma_wait3A = arith.constant 0 : i32
        %dma_wait3A_48 = tpu.memref_slice %arg32[%dma_wait3A] : memref<1344xf32, #tpu.memory_space<vmem>> -> memref<1312xf32, #tpu.memory_space<vmem>>
        %dma_wait3A_49 = tpu.memref_slice %arg6[%multiple_of3A] : memref<21024xf32, #tpu.memory_space<vmem_shared>> -> memref<1312xf32, #tpu.memory_space<vmem_shared>>
        %dma_wait3A_50 = tpu.memref_slice %arg6[%multiple_of3A] : memref<21024xf32, #tpu.memory_space<vmem_shared>> -> memref<1312xf32, #tpu.memory_space<vmem_shared>>
        %dma_wait3A_51 = arith.constant 0 : i32
        %dma_wait3A_52 = tpu.memref_slice %arg32[%dma_wait3A_51] : memref<1344xf32, #tpu.memory_space<vmem>> -> memref<1312xf32, #tpu.memory_space<vmem>>
        tpu.wait_dma2 semaphore(%run_scoped3A : memref<!tpu.dma_semaphore, #tpu.memory_space<semaphore_mem>>) src(%dma_wait3A_52 : memref<1312xf32, #tpu.memory_space<vmem>>) dst(%dma_wait3A_50 : memref<1312xf32, #tpu.memory_space<vmem_shared>>)
        tpu.yield
      }) : () -> ()
    } else {
    }
    %eq3A = arith.constant 15 : i32
    %eq3A_5 = arith.cmpi eq, %arg1, %eq3A : i32
    %convert_element_type3A_6 = arith.extui %eq3A_5 : i1 to i32
    %cond3A_7 = arith.constant 0 : i32
    %cond3A_8 = arith.cmpi ne, %convert_element_type3A_6, %cond3A_7 : i32
    scf.if %cond3A_8 {
      "tpu.region"() ({
        %run_scoped3A = tpu.sem_alloc : memref<!tpu.dma_semaphore, #tpu.memory_space<semaphore_mem>>
        %dma_start3A_40 = arith.constant 0 : i32
        %dma_start3A_41 = tpu.memref_slice %arg32[%dma_start3A_40] : memref<1344xf32, #tpu.memory_space<vmem>> -> memref<1344xf32, #tpu.memory_space<vmem>>
        %dma_start3A_42 = arith.constant 19680 : i32
        %dma_start3A_43 = tpu.memref_slice %arg4[%dma_start3A_42] : memref<21024xf32, #tpu.memory_space<hbm>> -> memref<1344xf32, #tpu.memory_space<hbm>>
        %dma_start3A_44 = arith.constant 0 : i32
        %dma_start3A_45 = tpu.memref_slice %arg32[%dma_start3A_44] : memref<1344xf32, #tpu.memory_space<vmem>> -> memref<1344xf32, #tpu.memory_space<vmem>>
        %dma_start3A_46 = arith.constant 19680 : i32
        %dma_start3A_47 = tpu.memref_slice %arg4[%dma_start3A_46] : memref<21024xf32, #tpu.memory_space<hbm>> -> memref<1344xf32, #tpu.memory_space<hbm>>
        tpu.enqueue_dma source(%dma_start3A_47 : memref<1344xf32, #tpu.memory_space<hbm>>) target(%dma_start3A_45 : memref<1344xf32, #tpu.memory_space<vmem>>) target_semaphore(%run_scoped3A : memref<!tpu.dma_semaphore, #tpu.memory_space<semaphore_mem>>)
        %dma_wait3A = arith.constant 0 : i32
        %dma_wait3A_48 = tpu.memref_slice %arg32[%dma_wait3A] : memref<1344xf32, #tpu.memory_space<vmem>> -> memref<1344xf32, #tpu.memory_space<vmem>>
        %dma_wait3A_49 = arith.constant 19680 : i32
        %dma_wait3A_50 = tpu.memref_slice %arg4[%dma_wait3A_49] : memref<21024xf32, #tpu.memory_space<hbm>> -> memref<1344xf32, #tpu.memory_space<hbm>>
        %dma_wait3A_51 = arith.constant 0 : i32
        %dma_wait3A_52 = tpu.memref_slice %arg32[%dma_wait3A_51] : memref<1344xf32, #tpu.memory_space<vmem>> -> memref<1344xf32, #tpu.memory_space<vmem>>
        %dma_wait3A_53 = arith.constant 19680 : i32
        %dma_wait3A_54 = tpu.memref_slice %arg4[%dma_wait3A_53] : memref<21024xf32, #tpu.memory_space<hbm>> -> memref<1344xf32, #tpu.memory_space<hbm>>
        tpu.wait_dma2 semaphore(%run_scoped3A : memref<!tpu.dma_semaphore, #tpu.memory_space<semaphore_mem>>) src(%dma_wait3A_54 : memref<1344xf32, #tpu.memory_space<hbm>>) dst(%dma_wait3A_52 : memref<1344xf32, #tpu.memory_space<vmem>>)
        tpu.yield
      }) : () -> ()
      "tpu.region"() ({
        %run_scoped3A = tpu.sem_alloc : memref<!tpu.dma_semaphore, #tpu.memory_space<semaphore_mem>>
        %dma_start3A_40 = arith.constant 0 : i32
        %dma_start3A_41 = tpu.memref_slice %arg32[%dma_start3A_40] : memref<1344xf32, #tpu.memory_space<vmem>> -> memref<1344xf32, #tpu.memory_space<vmem>>
        %dma_start3A_42 = arith.constant 19680 : i32
        %dma_start3A_43 = tpu.memref_slice %arg6[%dma_start3A_42] : memref<21024xf32, #tpu.memory_space<vmem_shared>> -> memref<1344xf32, #tpu.memory_space<vmem_shared>>
        %dma_start3A_44 = arith.constant 19680 : i32
        %dma_start3A_45 = tpu.memref_slice %arg6[%dma_start3A_44] : memref<21024xf32, #tpu.memory_space<vmem_shared>> -> memref<1344xf32, #tpu.memory_space<vmem_shared>>
        %dma_start3A_46 = arith.constant 0 : i32
        %dma_start3A_47 = tpu.memref_slice %arg32[%dma_start3A_46] : memref<1344xf32, #tpu.memory_space<vmem>> -> memref<1344xf32, #tpu.memory_space<vmem>>
        tpu.enqueue_dma source(%dma_start3A_47 : memref<1344xf32, #tpu.memory_space<vmem>>) target(%dma_start3A_45 : memref<1344xf32, #tpu.memory_space<vmem_shared>>) target_semaphore(%run_scoped3A : memref<!tpu.dma_semaphore, #tpu.memory_space<semaphore_mem>>)
        %dma_wait3A = arith.constant 0 : i32
        %dma_wait3A_48 = tpu.memref_slice %arg32[%dma_wait3A] : memref<1344xf32, #tpu.memory_space<vmem>> -> memref<1344xf32, #tpu.memory_space<vmem>>
        %dma_wait3A_49 = arith.constant 19680 : i32
        %dma_wait3A_50 = tpu.memref_slice %arg6[%dma_wait3A_49] : memref<21024xf32, #tpu.memory_space<vmem_shared>> -> memref<1344xf32, #tpu.memory_space<vmem_shared>>
        %dma_wait3A_51 = arith.constant 19680 : i32
        %dma_wait3A_52 = tpu.memref_slice %arg6[%dma_wait3A_51] : memref<21024xf32, #tpu.memory_space<vmem_shared>> -> memref<1344xf32, #tpu.memory_space<vmem_shared>>
        %dma_wait3A_53 = arith.constant 0 : i32
        %dma_wait3A_54 = tpu.memref_slice %arg32[%dma_wait3A_53] : memref<1344xf32, #tpu.memory_space<vmem>> -> memref<1344xf32, #tpu.memory_space<vmem>>
        tpu.wait_dma2 semaphore(%run_scoped3A : memref<!tpu.dma_semaphore, #tpu.memory_space<semaphore_mem>>) src(%dma_wait3A_54 : memref<1344xf32, #tpu.memory_space<vmem>>) dst(%dma_wait3A_52 : memref<1344xf32, #tpu.memory_space<vmem_shared>>)
        tpu.yield
      }) : () -> ()
    } else {
    }
    %barrier3A = arith.constant 0 : index
    tpu.barrier barrier_id(%barrier3A)
    %add3A_9 = arith.constant 0 : i32
    %add3A_10 = arith.addi %mul3A_2, %add3A_9 : i32
    %dma_start3A = tpu.memref_slice %arg2[%add3A_10] : memref<655360xi32, #tpu.memory_space<hbm>> -> memref<128xi32, #tpu.memory_space<hbm>>
    %dma_start3A_11 = tpu.memref_slice %arg2[%add3A_10] : memref<655360xi32, #tpu.memory_space<hbm>> -> memref<128xi32, #tpu.memory_space<hbm>>
    tpu.enqueue_dma source(%dma_start3A_11 : memref<128xi32, #tpu.memory_space<hbm>>) target(%arg7 : memref<128xi32, #tpu.memory_space<vmem>>) target_semaphore(%arg24 : memref<!tpu.dma_semaphore, #tpu.memory_space<semaphore_mem>>)
    %add3A_12 = arith.constant 128 : i32
    %add3A_13 = arith.addi %mul3A_2, %add3A_12 : i32
    %dma_start3A_14 = tpu.memref_slice %arg2[%add3A_13] : memref<655360xi32, #tpu.memory_space<hbm>> -> memref<128xi32, #tpu.memory_space<hbm>>
    %dma_start3A_15 = tpu.memref_slice %arg2[%add3A_13] : memref<655360xi32, #tpu.memory_space<hbm>> -> memref<128xi32, #tpu.memory_space<hbm>>
    tpu.enqueue_dma source(%dma_start3A_15 : memref<128xi32, #tpu.memory_space<hbm>>) target(%arg8 : memref<128xi32, #tpu.memory_space<vmem>>) target_semaphore(%arg25 : memref<!tpu.dma_semaphore, #tpu.memory_space<semaphore_mem>>)
    %add3A_16 = arith.constant 256 : i32
    %add3A_17 = arith.addi %mul3A_2, %add3A_16 : i32
    %dma_start3A_18 = tpu.memref_slice %arg2[%add3A_17] : memref<655360xi32, #tpu.memory_space<hbm>> -> memref<128xi32, #tpu.memory_space<hbm>>
    %dma_start3A_19 = tpu.memref_slice %arg2[%add3A_17] : memref<655360xi32, #tpu.memory_space<hbm>> -> memref<128xi32, #tpu.memory_space<hbm>>
    tpu.enqueue_dma source(%dma_start3A_19 : memref<128xi32, #tpu.memory_space<hbm>>) target(%arg9 : memref<128xi32, #tpu.memory_space<vmem>>) target_semaphore(%arg26 : memref<!tpu.dma_semaphore, #tpu.memory_space<semaphore_mem>>)
    %add3A_20 = arith.constant 384 : i32
    %add3A_21 = arith.addi %mul3A_2, %add3A_20 : i32
    %dma_start3A_22 = tpu.memref_slice %arg2[%add3A_21] : memref<655360xi32, #tpu.memory_space<hbm>> -> memref<128xi32, #tpu.memory_space<hbm>>
    %dma_start3A_23 = tpu.memref_slice %arg2[%add3A_21] : memref<655360xi32, #tpu.memory_space<hbm>> -> memref<128xi32, #tpu.memory_space<hbm>>
    tpu.enqueue_dma source(%dma_start3A_23 : memref<128xi32, #tpu.memory_space<hbm>>) target(%arg10 : memref<128xi32, #tpu.memory_space<vmem>>) target_semaphore(%arg27 : memref<!tpu.dma_semaphore, #tpu.memory_space<semaphore_mem>>)
    %scan3A = arith.constant 0 : i32
    %scan3A_24 = arith.constant 0 : i32
    %scan3A_25 = arith.constant 20 : i32
    %scan3A_26 = arith.addi %scan3A_24, %scan3A_25 : i32
    %scan3A_27 = arith.constant 1 : i32
    scf.for %scan3A_40 = %scan3A_24 to %scan3A_26 step %scan3A_27  : i32 {
      %mul3A_41 = arith.constant 8 : i32
      %mul3A_42 = arith.muli %mul3A_41, %scan3A_40 : i32
      %add3A_43 = arith.constant 0 : i32
      %add3A_44 = arith.addi %mul3A_42, %add3A_43 : i32
      %mul3A_45 = arith.constant 128 : i32
      %mul3A_46 = arith.muli %add3A_44, %mul3A_45 : i32
      %add3A_47 = arith.addi %mul3A_2, %mul3A_46 : i32
      %dma_wait3A = tpu.memref_slice %arg2[%add3A_47] : memref<655360xi32, #tpu.memory_space<hbm>> -> memref<128xi32, #tpu.memory_space<hbm>>
      %dma_wait3A_48 = tpu.memref_slice %arg2[%add3A_47] : memref<655360xi32, #tpu.memory_space<hbm>> -> memref<128xi32, #tpu.memory_space<hbm>>
      tpu.wait_dma2 semaphore(%arg24 : memref<!tpu.dma_semaphore, #tpu.memory_space<semaphore_mem>>) src(%dma_wait3A_48 : memref<128xi32, #tpu.memory_space<hbm>>) dst(%arg7 : memref<128xi32, #tpu.memory_space<vmem>>)
      %dma_start3A_49 = arith.constant 0 : i32
      %dma_start3A_50 = tpu.memref_slice %arg6[%dma_start3A_49] : memref<21024xf32, #tpu.memory_space<vmem_shared>> -> memref<21024xf32, #tpu.memory_space<vmem_shared>>
      tpu.enqueue_indirect_dma source(%arg15 : memref<128xf32, #tpu.memory_space<vmem>>) target(%dma_start3A_50 : memref<21024xf32, #tpu.memory_space<vmem_shared>>) offsets(%arg7 : memref<128xi32, #tpu.memory_space<vmem>>) semaphore(%arg16 : memref<!tpu.dma_semaphore, #tpu.memory_space<semaphore_mem>>) {add = true}
      %add3A_51 = arith.constant 1 : i32
      %add3A_52 = arith.addi %mul3A_42, %add3A_51 : i32
      %mul3A_53 = arith.constant 128 : i32
      %mul3A_54 = arith.muli %add3A_52, %mul3A_53 : i32
      %add3A_55 = arith.addi %mul3A_2, %mul3A_54 : i32
      %dma_wait3A_56 = tpu.memref_slice %arg2[%add3A_55] : memref<655360xi32, #tpu.memory_space<hbm>> -> memref<128xi32, #tpu.memory_space<hbm>>
      %dma_wait3A_57 = tpu.memref_slice %arg2[%add3A_55] : memref<655360xi32, #tpu.memory_space<hbm>> -> memref<128xi32, #tpu.memory_space<hbm>>
      tpu.wait_dma2 semaphore(%arg25 : memref<!tpu.dma_semaphore, #tpu.memory_space<semaphore_mem>>) src(%dma_wait3A_57 : memref<128xi32, #tpu.memory_space<hbm>>) dst(%arg8 : memref<128xi32, #tpu.memory_space<vmem>>)
      %dma_start3A_58 = arith.constant 0 : i32
      %dma_start3A_59 = tpu.memref_slice %arg6[%dma_start3A_58] : memref<21024xf32, #tpu.memory_space<vmem_shared>> -> memref<21024xf32, #tpu.memory_space<vmem_shared>>
      tpu.enqueue_indirect_dma source(%arg15 : memref<128xf32, #tpu.memory_space<vmem>>) target(%dma_start3A_59 : memref<21024xf32, #tpu.memory_space<vmem_shared>>) offsets(%arg8 : memref<128xi32, #tpu.memory_space<vmem>>) semaphore(%arg17 : memref<!tpu.dma_semaphore, #tpu.memory_space<semaphore_mem>>) {add = true}
      %add3A_60 = arith.constant 2 : i32
      %add3A_61 = arith.addi %mul3A_42, %add3A_60 : i32
      %mul3A_62 = arith.constant 128 : i32
      %mul3A_63 = arith.muli %add3A_61, %mul3A_62 : i32
      %add3A_64 = arith.addi %mul3A_2, %mul3A_63 : i32
      %dma_wait3A_65 = tpu.memref_slice %arg2[%add3A_64] : memref<655360xi32, #tpu.memory_space<hbm>> -> memref<128xi32, #tpu.memory_space<hbm>>
      %dma_wait3A_66 = tpu.memref_slice %arg2[%add3A_64] : memref<655360xi32, #tpu.memory_space<hbm>> -> memref<128xi32, #tpu.memory_space<hbm>>
      tpu.wait_dma2 semaphore(%arg26 : memref<!tpu.dma_semaphore, #tpu.memory_space<semaphore_mem>>) src(%dma_wait3A_66 : memref<128xi32, #tpu.memory_space<hbm>>) dst(%arg9 : memref<128xi32, #tpu.memory_space<vmem>>)
      %dma_start3A_67 = arith.constant 0 : i32
      %dma_start3A_68 = tpu.memref_slice %arg6[%dma_start3A_67] : memref<21024xf32, #tpu.memory_space<vmem_shared>> -> memref<21024xf32, #tpu.memory_space<vmem_shared>>
      tpu.enqueue_indirect_dma source(%arg15 : memref<128xf32, #tpu.memory_space<vmem>>) target(%dma_start3A_68 : memref<21024xf32, #tpu.memory_space<vmem_shared>>) offsets(%arg9 : memref<128xi32, #tpu.memory_space<vmem>>) semaphore(%arg18 : memref<!tpu.dma_semaphore, #tpu.memory_space<semaphore_mem>>) {add = true}
      %add3A_69 = arith.constant 3 : i32
      %add3A_70 = arith.addi %mul3A_42, %add3A_69 : i32
      %mul3A_71 = arith.constant 128 : i32
      %mul3A_72 = arith.muli %add3A_70, %mul3A_71 : i32
      %add3A_73 = arith.addi %mul3A_2, %mul3A_72 : i32
      %dma_wait3A_74 = tpu.memref_slice %arg2[%add3A_73] : memref<655360xi32, #tpu.memory_space<hbm>> -> memref<128xi32, #tpu.memory_space<hbm>>
      %dma_wait3A_75 = tpu.memref_slice %arg2[%add3A_73] : memref<655360xi32, #tpu.memory_space<hbm>> -> memref<128xi32, #tpu.memory_space<hbm>>
      tpu.wait_dma2 semaphore(%arg27 : memref<!tpu.dma_semaphore, #tpu.memory_space<semaphore_mem>>) src(%dma_wait3A_75 : memref<128xi32, #tpu.memory_space<hbm>>) dst(%arg10 : memref<128xi32, #tpu.memory_space<vmem>>)
      %dma_start3A_76 = arith.constant 0 : i32
      %dma_start3A_77 = tpu.memref_slice %arg6[%dma_start3A_76] : memref<21024xf32, #tpu.memory_space<vmem_shared>> -> memref<21024xf32, #tpu.memory_space<vmem_shared>>
      tpu.enqueue_indirect_dma source(%arg15 : memref<128xf32, #tpu.memory_space<vmem>>) target(%dma_start3A_77 : memref<21024xf32, #tpu.memory_space<vmem_shared>>) offsets(%arg10 : memref<128xi32, #tpu.memory_space<vmem>>) semaphore(%arg19 : memref<!tpu.dma_semaphore, #tpu.memory_space<semaphore_mem>>) {add = true}
      %add3A_78 = arith.constant 4 : i32
      %add3A_79 = arith.addi %mul3A_42, %add3A_78 : i32
      %add3A_80 = arith.constant 0 : i32
      %add3A_81 = arith.addi %add3A_79, %add3A_80 : i32
      %mul3A_82 = arith.constant 128 : i32
      %mul3A_83 = arith.muli %add3A_81, %mul3A_82 : i32
      %add3A_84 = arith.addi %mul3A_2, %mul3A_83 : i32
      %dma_start3A_85 = tpu.memref_slice %arg2[%add3A_84] : memref<655360xi32, #tpu.memory_space<hbm>> -> memref<128xi32, #tpu.memory_space<hbm>>
      %dma_start3A_86 = tpu.memref_slice %arg2[%add3A_84] : memref<655360xi32, #tpu.memory_space<hbm>> -> memref<128xi32, #tpu.memory_space<hbm>>
      tpu.enqueue_dma source(%dma_start3A_86 : memref<128xi32, #tpu.memory_space<hbm>>) target(%arg11 : memref<128xi32, #tpu.memory_space<vmem>>) target_semaphore(%arg28 : memref<!tpu.dma_semaphore, #tpu.memory_space<semaphore_mem>>)
      %add3A_87 = arith.constant 4 : i32
      %add3A_88 = arith.addi %mul3A_42, %add3A_87 : i32
      %add3A_89 = arith.constant 1 : i32
      %add3A_90 = arith.addi %add3A_88, %add3A_89 : i32
      %mul3A_91 = arith.constant 128 : i32
      %mul3A_92 = arith.muli %add3A_90, %mul3A_91 : i32
      %add3A_93 = arith.addi %mul3A_2, %mul3A_92 : i32
      %dma_start3A_94 = tpu.memref_slice %arg2[%add3A_93] : memref<655360xi32, #tpu.memory_space<hbm>> -> memref<128xi32, #tpu.memory_space<hbm>>
      %dma_start3A_95 = tpu.memref_slice %arg2[%add3A_93] : memref<655360xi32, #tpu.memory_space<hbm>> -> memref<128xi32, #tpu.memory_space<hbm>>
      tpu.enqueue_dma source(%dma_start3A_95 : memref<128xi32, #tpu.memory_space<hbm>>) target(%arg12 : memref<128xi32, #tpu.memory_space<vmem>>) target_semaphore(%arg29 : memref<!tpu.dma_semaphore, #tpu.memory_space<semaphore_mem>>)
      %add3A_96 = arith.constant 4 : i32
      %add3A_97 = arith.addi %mul3A_42, %add3A_96 : i32
      %add3A_98 = arith.constant 2 : i32
      %add3A_99 = arith.addi %add3A_97, %add3A_98 : i32
      %mul3A_100 = arith.constant 128 : i32
      %mul3A_101 = arith.muli %add3A_99, %mul3A_100 : i32
      %add3A_102 = arith.addi %mul3A_2, %mul3A_101 : i32
      %dma_start3A_103 = tpu.memref_slice %arg2[%add3A_102] : memref<655360xi32, #tpu.memory_space<hbm>> -> memref<128xi32, #tpu.memory_space<hbm>>
      %dma_start3A_104 = tpu.memref_slice %arg2[%add3A_102] : memref<655360xi32, #tpu.memory_space<hbm>> -> memref<128xi32, #tpu.memory_space<hbm>>
      tpu.enqueue_dma source(%dma_start3A_104 : memref<128xi32, #tpu.memory_space<hbm>>) target(%arg13 : memref<128xi32, #tpu.memory_space<vmem>>) target_semaphore(%arg30 : memref<!tpu.dma_semaphore, #tpu.memory_space<semaphore_mem>>)
      %add3A_105 = arith.constant 4 : i32
      %add3A_106 = arith.addi %mul3A_42, %add3A_105 : i32
      %add3A_107 = arith.constant 3 : i32
      %add3A_108 = arith.addi %add3A_106, %add3A_107 : i32
      %mul3A_109 = arith.constant 128 : i32
      %mul3A_110 = arith.muli %add3A_108, %mul3A_109 : i32
      %add3A_111 = arith.addi %mul3A_2, %mul3A_110 : i32
      %dma_start3A_112 = tpu.memref_slice %arg2[%add3A_111] : memref<655360xi32, #tpu.memory_space<hbm>> -> memref<128xi32, #tpu.memory_space<hbm>>
      %dma_start3A_113 = tpu.memref_slice %arg2[%add3A_111] : memref<655360xi32, #tpu.memory_space<hbm>> -> memref<128xi32, #tpu.memory_space<hbm>>
      tpu.enqueue_dma source(%dma_start3A_113 : memref<128xi32, #tpu.memory_space<hbm>>) target(%arg14 : memref<128xi32, #tpu.memory_space<vmem>>) target_semaphore(%arg31 : memref<!tpu.dma_semaphore, #tpu.memory_space<semaphore_mem>>)
      %dma_wait3A_114 = arith.constant 0 : i32
      %dma_wait3A_115 = tpu.memref_slice %arg6[%dma_wait3A_114] : memref<21024xf32, #tpu.memory_space<vmem_shared>> -> memref<21024xf32, #tpu.memory_space<vmem_shared>>
      tpu.wait_indirect_dma semaphore(%arg16 : memref<!tpu.dma_semaphore, #tpu.memory_space<semaphore_mem>>) src(%arg15 : memref<128xf32, #tpu.memory_space<vmem>>) dst(%dma_wait3A_115 : memref<21024xf32, #tpu.memory_space<vmem_shared>>)
      %lt3A_116 = arith.constant 19 : i32
      %lt3A_117 = arith.cmpi slt, %scan3A_40, %lt3A_116 : i32
      %convert_element_type3A_118 = arith.extui %lt3A_117 : i1 to i32
      %cond3A_119 = arith.constant 0 : i32
      %cond3A_120 = arith.cmpi ne, %convert_element_type3A_118, %cond3A_119 : i32
      scf.if %cond3A_120 {
        %add3A_194 = arith.constant 8 : i32
        %add3A_195 = arith.addi %mul3A_42, %add3A_194 : i32
        %add3A_196 = arith.constant 0 : i32
        %add3A_197 = arith.addi %add3A_195, %add3A_196 : i32
        %mul3A_198 = arith.constant 128 : i32
        %mul3A_199 = arith.muli %add3A_197, %mul3A_198 : i32
        %add3A_200 = arith.addi %mul3A_2, %mul3A_199 : i32
        %dma_start3A_201 = tpu.memref_slice %arg2[%add3A_200] : memref<655360xi32, #tpu.memory_space<hbm>> -> memref<128xi32, #tpu.memory_space<hbm>>
        %dma_start3A_202 = tpu.memref_slice %arg2[%add3A_200] : memref<655360xi32, #tpu.memory_space<hbm>> -> memref<128xi32, #tpu.memory_space<hbm>>
        tpu.enqueue_dma source(%dma_start3A_202 : memref<128xi32, #tpu.memory_space<hbm>>) target(%arg7 : memref<128xi32, #tpu.memory_space<vmem>>) target_semaphore(%arg24 : memref<!tpu.dma_semaphore, #tpu.memory_space<semaphore_mem>>)
      } else {
      }
      %dma_wait3A_121 = arith.constant 0 : i32
      %dma_wait3A_122 = tpu.memref_slice %arg6[%dma_wait3A_121] : memref<21024xf32, #tpu.memory_space<vmem_shared>> -> memref<21024xf32, #tpu.memory_space<vmem_shared>>
      tpu.wait_indirect_dma semaphore(%arg17 : memref<!tpu.dma_semaphore, #tpu.memory_space<semaphore_mem>>) src(%arg15 : memref<128xf32, #tpu.memory_space<vmem>>) dst(%dma_wait3A_122 : memref<21024xf32, #tpu.memory_space<vmem_shared>>)
      %lt3A_123 = arith.constant 19 : i32
      %lt3A_124 = arith.cmpi slt, %scan3A_40, %lt3A_123 : i32
      %convert_element_type3A_125 = arith.extui %lt3A_124 : i1 to i32
      %cond3A_126 = arith.constant 0 : i32
      %cond3A_127 = arith.cmpi ne, %convert_element_type3A_125, %cond3A_126 : i32
      scf.if %cond3A_127 {
        %add3A_194 = arith.constant 8 : i32
        %add3A_195 = arith.addi %mul3A_42, %add3A_194 : i32
        %add3A_196 = arith.constant 1 : i32
        %add3A_197 = arith.addi %add3A_195, %add3A_196 : i32
        %mul3A_198 = arith.constant 128 : i32
        %mul3A_199 = arith.muli %add3A_197, %mul3A_198 : i32
        %add3A_200 = arith.addi %mul3A_2, %mul3A_199 : i32
        %dma_start3A_201 = tpu.memref_slice %arg2[%add3A_200] : memref<655360xi32, #tpu.memory_space<hbm>> -> memref<128xi32, #tpu.memory_space<hbm>>
        %dma_start3A_202 = tpu.memref_slice %arg2[%add3A_200] : memref<655360xi32, #tpu.memory_space<hbm>> -> memref<128xi32, #tpu.memory_space<hbm>>
        tpu.enqueue_dma source(%dma_start3A_202 : memref<128xi32, #tpu.memory_space<hbm>>) target(%arg8 : memref<128xi32, #tpu.memory_space<vmem>>) target_semaphore(%arg25 : memref<!tpu.dma_semaphore, #tpu.memory_space<semaphore_mem>>)
      } else {
      }
      %dma_wait3A_128 = arith.constant 0 : i32
      %dma_wait3A_129 = tpu.memref_slice %arg6[%dma_wait3A_128] : memref<21024xf32, #tpu.memory_space<vmem_shared>> -> memref<21024xf32, #tpu.memory_space<vmem_shared>>
      tpu.wait_indirect_dma semaphore(%arg18 : memref<!tpu.dma_semaphore, #tpu.memory_space<semaphore_mem>>) src(%arg15 : memref<128xf32, #tpu.memory_space<vmem>>) dst(%dma_wait3A_129 : memref<21024xf32, #tpu.memory_space<vmem_shared>>)
      %lt3A_130 = arith.constant 19 : i32
      %lt3A_131 = arith.cmpi slt, %scan3A_40, %lt3A_130 : i32
      %convert_element_type3A_132 = arith.extui %lt3A_131 : i1 to i32
      %cond3A_133 = arith.constant 0 : i32
      %cond3A_134 = arith.cmpi ne, %convert_element_type3A_132, %cond3A_133 : i32
      scf.if %cond3A_134 {
        %add3A_194 = arith.constant 8 : i32
        %add3A_195 = arith.addi %mul3A_42, %add3A_194 : i32
        %add3A_196 = arith.constant 2 : i32
        %add3A_197 = arith.addi %add3A_195, %add3A_196 : i32
        %mul3A_198 = arith.constant 128 : i32
        %mul3A_199 = arith.muli %add3A_197, %mul3A_198 : i32
        %add3A_200 = arith.addi %mul3A_2, %mul3A_199 : i32
        %dma_start3A_201 = tpu.memref_slice %arg2[%add3A_200] : memref<655360xi32, #tpu.memory_space<hbm>> -> memref<128xi32, #tpu.memory_space<hbm>>
        %dma_start3A_202 = tpu.memref_slice %arg2[%add3A_200] : memref<655360xi32, #tpu.memory_space<hbm>> -> memref<128xi32, #tpu.memory_space<hbm>>
        tpu.enqueue_dma source(%dma_start3A_202 : memref<128xi32, #tpu.memory_space<hbm>>) target(%arg9 : memref<128xi32, #tpu.memory_space<vmem>>) target_semaphore(%arg26 : memref<!tpu.dma_semaphore, #tpu.memory_space<semaphore_mem>>)
      } else {
      }
      %dma_wait3A_135 = arith.constant 0 : i32
      %dma_wait3A_136 = tpu.memref_slice %arg6[%dma_wait3A_135] : memref<21024xf32, #tpu.memory_space<vmem_shared>> -> memref<21024xf32, #tpu.memory_space<vmem_shared>>
      tpu.wait_indirect_dma semaphore(%arg19 : memref<!tpu.dma_semaphore, #tpu.memory_space<semaphore_mem>>) src(%arg15 : memref<128xf32, #tpu.memory_space<vmem>>) dst(%dma_wait3A_136 : memref<21024xf32, #tpu.memory_space<vmem_shared>>)
      %lt3A_137 = arith.constant 19 : i32
      %lt3A_138 = arith.cmpi slt, %scan3A_40, %lt3A_137 : i32
      %convert_element_type3A_139 = arith.extui %lt3A_138 : i1 to i32
      %cond3A_140 = arith.constant 0 : i32
      %cond3A_141 = arith.cmpi ne, %convert_element_type3A_139, %cond3A_140 : i32
      scf.if %cond3A_141 {
        %add3A_194 = arith.constant 8 : i32
        %add3A_195 = arith.addi %mul3A_42, %add3A_194 : i32
        %add3A_196 = arith.constant 3 : i32
        %add3A_197 = arith.addi %add3A_195, %add3A_196 : i32
        %mul3A_198 = arith.constant 128 : i32
        %mul3A_199 = arith.muli %add3A_197, %mul3A_198 : i32
        %add3A_200 = arith.addi %mul3A_2, %mul3A_199 : i32
        %dma_start3A_201 = tpu.memref_slice %arg2[%add3A_200] : memref<655360xi32, #tpu.memory_space<hbm>> -> memref<128xi32, #tpu.memory_space<hbm>>
        %dma_start3A_202 = tpu.memref_slice %arg2[%add3A_200] : memref<655360xi32, #tpu.memory_space<hbm>> -> memref<128xi32, #tpu.memory_space<hbm>>
        tpu.enqueue_dma source(%dma_start3A_202 : memref<128xi32, #tpu.memory_space<hbm>>) target(%arg10 : memref<128xi32, #tpu.memory_space<vmem>>) target_semaphore(%arg27 : memref<!tpu.dma_semaphore, #tpu.memory_space<semaphore_mem>>)
      } else {
      }
      %add3A_142 = arith.constant 4 : i32
      %add3A_143 = arith.addi %mul3A_42, %add3A_142 : i32
      %add3A_144 = arith.constant 0 : i32
      %add3A_145 = arith.addi %add3A_143, %add3A_144 : i32
      %mul3A_146 = arith.constant 128 : i32
      %mul3A_147 = arith.muli %add3A_145, %mul3A_146 : i32
      %add3A_148 = arith.addi %mul3A_2, %mul3A_147 : i32
      %dma_wait3A_149 = tpu.memref_slice %arg2[%add3A_148] : memref<655360xi32, #tpu.memory_space<hbm>> -> memref<128xi32, #tpu.memory_space<hbm>>
      %dma_wait3A_150 = tpu.memref_slice %arg2[%add3A_148] : memref<655360xi32, #tpu.memory_space<hbm>> -> memref<128xi32, #tpu.memory_space<hbm>>
      tpu.wait_dma2 semaphore(%arg28 : memref<!tpu.dma_semaphore, #tpu.memory_space<semaphore_mem>>) src(%dma_wait3A_150 : memref<128xi32, #tpu.memory_space<hbm>>) dst(%arg11 : memref<128xi32, #tpu.memory_space<vmem>>)
      %dma_start3A_151 = arith.constant 0 : i32
      %dma_start3A_152 = tpu.memref_slice %arg6[%dma_start3A_151] : memref<21024xf32, #tpu.memory_space<vmem_shared>> -> memref<21024xf32, #tpu.memory_space<vmem_shared>>
      tpu.enqueue_indirect_dma source(%arg15 : memref<128xf32, #tpu.memory_space<vmem>>) target(%dma_start3A_152 : memref<21024xf32, #tpu.memory_space<vmem_shared>>) offsets(%arg11 : memref<128xi32, #tpu.memory_space<vmem>>) semaphore(%arg20 : memref<!tpu.dma_semaphore, #tpu.memory_space<semaphore_mem>>) {add = true}
      %add3A_153 = arith.constant 4 : i32
      %add3A_154 = arith.addi %mul3A_42, %add3A_153 : i32
      %add3A_155 = arith.constant 1 : i32
      %add3A_156 = arith.addi %add3A_154, %add3A_155 : i32
      %mul3A_157 = arith.constant 128 : i32
      %mul3A_158 = arith.muli %add3A_156, %mul3A_157 : i32
      %add3A_159 = arith.addi %mul3A_2, %mul3A_158 : i32
      %dma_wait3A_160 = tpu.memref_slice %arg2[%add3A_159] : memref<655360xi32, #tpu.memory_space<hbm>> -> memref<128xi32, #tpu.memory_space<hbm>>
      %dma_wait3A_161 = tpu.memref_slice %arg2[%add3A_159] : memref<655360xi32, #tpu.memory_space<hbm>> -> memref<128xi32, #tpu.memory_space<hbm>>
      tpu.wait_dma2 semaphore(%arg29 : memref<!tpu.dma_semaphore, #tpu.memory_space<semaphore_mem>>) src(%dma_wait3A_161 : memref<128xi32, #tpu.memory_space<hbm>>) dst(%arg12 : memref<128xi32, #tpu.memory_space<vmem>>)
      %dma_start3A_162 = arith.constant 0 : i32
      %dma_start3A_163 = tpu.memref_slice %arg6[%dma_start3A_162] : memref<21024xf32, #tpu.memory_space<vmem_shared>> -> memref<21024xf32, #tpu.memory_space<vmem_shared>>
      tpu.enqueue_indirect_dma source(%arg15 : memref<128xf32, #tpu.memory_space<vmem>>) target(%dma_start3A_163 : memref<21024xf32, #tpu.memory_space<vmem_shared>>) offsets(%arg12 : memref<128xi32, #tpu.memory_space<vmem>>) semaphore(%arg21 : memref<!tpu.dma_semaphore, #tpu.memory_space<semaphore_mem>>) {add = true}
      %add3A_164 = arith.constant 4 : i32
      %add3A_165 = arith.addi %mul3A_42, %add3A_164 : i32
      %add3A_166 = arith.constant 2 : i32
      %add3A_167 = arith.addi %add3A_165, %add3A_166 : i32
      %mul3A_168 = arith.constant 128 : i32
      %mul3A_169 = arith.muli %add3A_167, %mul3A_168 : i32
      %add3A_170 = arith.addi %mul3A_2, %mul3A_169 : i32
      %dma_wait3A_171 = tpu.memref_slice %arg2[%add3A_170] : memref<655360xi32, #tpu.memory_space<hbm>> -> memref<128xi32, #tpu.memory_space<hbm>>
      %dma_wait3A_172 = tpu.memref_slice %arg2[%add3A_170] : memref<655360xi32, #tpu.memory_space<hbm>> -> memref<128xi32, #tpu.memory_space<hbm>>
      tpu.wait_dma2 semaphore(%arg30 : memref<!tpu.dma_semaphore, #tpu.memory_space<semaphore_mem>>) src(%dma_wait3A_172 : memref<128xi32, #tpu.memory_space<hbm>>) dst(%arg13 : memref<128xi32, #tpu.memory_space<vmem>>)
      %dma_start3A_173 = arith.constant 0 : i32
      %dma_start3A_174 = tpu.memref_slice %arg6[%dma_start3A_173] : memref<21024xf32, #tpu.memory_space<vmem_shared>> -> memref<21024xf32, #tpu.memory_space<vmem_shared>>
      tpu.enqueue_indirect_dma source(%arg15 : memref<128xf32, #tpu.memory_space<vmem>>) target(%dma_start3A_174 : memref<21024xf32, #tpu.memory_space<vmem_shared>>) offsets(%arg13 : memref<128xi32, #tpu.memory_space<vmem>>) semaphore(%arg22 : memref<!tpu.dma_semaphore, #tpu.memory_space<semaphore_mem>>) {add = true}
      %add3A_175 = arith.constant 4 : i32
      %add3A_176 = arith.addi %mul3A_42, %add3A_175 : i32
      %add3A_177 = arith.constant 3 : i32
      %add3A_178 = arith.addi %add3A_176, %add3A_177 : i32
      %mul3A_179 = arith.constant 128 : i32
      %mul3A_180 = arith.muli %add3A_178, %mul3A_179 : i32
      %add3A_181 = arith.addi %mul3A_2, %mul3A_180 : i32
      %dma_wait3A_182 = tpu.memref_slice %arg2[%add3A_181] : memref<655360xi32, #tpu.memory_space<hbm>> -> memref<128xi32, #tpu.memory_space<hbm>>
      %dma_wait3A_183 = tpu.memref_slice %arg2[%add3A_181] : memref<655360xi32, #tpu.memory_space<hbm>> -> memref<128xi32, #tpu.memory_space<hbm>>
      tpu.wait_dma2 semaphore(%arg31 : memref<!tpu.dma_semaphore, #tpu.memory_space<semaphore_mem>>) src(%dma_wait3A_183 : memref<128xi32, #tpu.memory_space<hbm>>) dst(%arg14 : memref<128xi32, #tpu.memory_space<vmem>>)
      %dma_start3A_184 = arith.constant 0 : i32
      %dma_start3A_185 = tpu.memref_slice %arg6[%dma_start3A_184] : memref<21024xf32, #tpu.memory_space<vmem_shared>> -> memref<21024xf32, #tpu.memory_space<vmem_shared>>
      tpu.enqueue_indirect_dma source(%arg15 : memref<128xf32, #tpu.memory_space<vmem>>) target(%dma_start3A_185 : memref<21024xf32, #tpu.memory_space<vmem_shared>>) offsets(%arg14 : memref<128xi32, #tpu.memory_space<vmem>>) semaphore(%arg23 : memref<!tpu.dma_semaphore, #tpu.memory_space<semaphore_mem>>) {add = true}
      %dma_wait3A_186 = arith.constant 0 : i32
      %dma_wait3A_187 = tpu.memref_slice %arg6[%dma_wait3A_186] : memref<21024xf32, #tpu.memory_space<vmem_shared>> -> memref<21024xf32, #tpu.memory_space<vmem_shared>>
      tpu.wait_indirect_dma semaphore(%arg20 : memref<!tpu.dma_semaphore, #tpu.memory_space<semaphore_mem>>) src(%arg15 : memref<128xf32, #tpu.memory_space<vmem>>) dst(%dma_wait3A_187 : memref<21024xf32, #tpu.memory_space<vmem_shared>>)
      %dma_wait3A_188 = arith.constant 0 : i32
      %dma_wait3A_189 = tpu.memref_slice %arg6[%dma_wait3A_188] : memref<21024xf32, #tpu.memory_space<vmem_shared>> -> memref<21024xf32, #tpu.memory_space<vmem_shared>>
      tpu.wait_indirect_dma semaphore(%arg21 : memref<!tpu.dma_semaphore, #tpu.memory_space<semaphore_mem>>) src(%arg15 : memref<128xf32, #tpu.memory_space<vmem>>) dst(%dma_wait3A_189 : memref<21024xf32, #tpu.memory_space<vmem_shared>>)
      %dma_wait3A_190 = arith.constant 0 : i32
      %dma_wait3A_191 = tpu.memref_slice %arg6[%dma_wait3A_190] : memref<21024xf32, #tpu.memory_space<vmem_shared>> -> memref<21024xf32, #tpu.memory_space<vmem_shared>>
      tpu.wait_indirect_dma semaphore(%arg22 : memref<!tpu.dma_semaphore, #tpu.memory_space<semaphore_mem>>) src(%arg15 : memref<128xf32, #tpu.memory_space<vmem>>) dst(%dma_wait3A_191 : memref<21024xf32, #tpu.memory_space<vmem_shared>>)
      %dma_wait3A_192 = arith.constant 0 : i32
      %dma_wait3A_193 = tpu.memref_slice %arg6[%dma_wait3A_192] : memref<21024xf32, #tpu.memory_space<vmem_shared>> -> memref<21024xf32, #tpu.memory_space<vmem_shared>>
      tpu.wait_indirect_dma semaphore(%arg23 : memref<!tpu.dma_semaphore, #tpu.memory_space<semaphore_mem>>) src(%arg15 : memref<128xf32, #tpu.memory_space<vmem>>) dst(%dma_wait3A_193 : memref<21024xf32, #tpu.memory_space<vmem_shared>>)
    }
    %scan3A_28 = arith.constant 20 : i32
    %barrier3A_29 = arith.constant 0 : index
    tpu.barrier barrier_id(%barrier3A_29)
    %lt3A_30 = arith.constant 15 : i32
    %lt3A_31 = arith.cmpi slt, %arg1, %lt3A_30 : i32
    %convert_element_type3A_32 = arith.extui %lt3A_31 : i1 to i32
    %cond3A_33 = arith.constant 0 : i32
    %cond3A_34 = arith.cmpi ne, %convert_element_type3A_32, %cond3A_33 : i32
    scf.if %cond3A_34 {
      %mul3A_40 = arith.constant 1312 : i32
      %mul3A_41 = arith.muli %arg1, %mul3A_40 : i32
      %multiple_of3A = tpu.assume_multiple %mul3A_41, 8 : i32
      "tpu.region"() ({
        %run_scoped3A = tpu.sem_alloc : memref<!tpu.dma_semaphore, #tpu.memory_space<semaphore_mem>>
        %dma_start3A_45 = arith.constant 0 : i32
        %dma_start3A_46 = tpu.memref_slice %arg32[%dma_start3A_45] : memref<1344xf32, #tpu.memory_space<vmem>> -> memref<1312xf32, #tpu.memory_space<vmem>>
        %dma_start3A_47 = tpu.memref_slice %arg6[%multiple_of3A] : memref<21024xf32, #tpu.memory_space<vmem_shared>> -> memref<1312xf32, #tpu.memory_space<vmem_shared>>
        %dma_start3A_48 = arith.constant 0 : i32
        %dma_start3A_49 = tpu.memref_slice %arg32[%dma_start3A_48] : memref<1344xf32, #tpu.memory_space<vmem>> -> memref<1312xf32, #tpu.memory_space<vmem>>
        %dma_start3A_50 = tpu.memref_slice %arg6[%multiple_of3A] : memref<21024xf32, #tpu.memory_space<vmem_shared>> -> memref<1312xf32, #tpu.memory_space<vmem_shared>>
        tpu.enqueue_dma source(%dma_start3A_50 : memref<1312xf32, #tpu.memory_space<vmem_shared>>) target(%dma_start3A_49 : memref<1312xf32, #tpu.memory_space<vmem>>) target_semaphore(%run_scoped3A : memref<!tpu.dma_semaphore, #tpu.memory_space<semaphore_mem>>)
        %dma_wait3A = arith.constant 0 : i32
        %dma_wait3A_51 = tpu.memref_slice %arg32[%dma_wait3A] : memref<1344xf32, #tpu.memory_space<vmem>> -> memref<1312xf32, #tpu.memory_space<vmem>>
        %dma_wait3A_52 = tpu.memref_slice %arg6[%multiple_of3A] : memref<21024xf32, #tpu.memory_space<vmem_shared>> -> memref<1312xf32, #tpu.memory_space<vmem_shared>>
        %dma_wait3A_53 = arith.constant 0 : i32
        %dma_wait3A_54 = tpu.memref_slice %arg32[%dma_wait3A_53] : memref<1344xf32, #tpu.memory_space<vmem>> -> memref<1312xf32, #tpu.memory_space<vmem>>
        %dma_wait3A_55 = tpu.memref_slice %arg6[%multiple_of3A] : memref<21024xf32, #tpu.memory_space<vmem_shared>> -> memref<1312xf32, #tpu.memory_space<vmem_shared>>
        tpu.wait_dma2 semaphore(%run_scoped3A : memref<!tpu.dma_semaphore, #tpu.memory_space<semaphore_mem>>) src(%dma_wait3A_55 : memref<1312xf32, #tpu.memory_space<vmem_shared>>) dst(%dma_wait3A_54 : memref<1312xf32, #tpu.memory_space<vmem>>)
        tpu.yield
      }) : () -> ()
      %mul3A_42 = arith.constant 21024 : i32
      %mul3A_43 = arith.muli %arg0, %mul3A_42 : i32
      %add3A_44 = arith.addi %mul3A_43, %multiple_of3A : i32
      "tpu.region"() ({
        %run_scoped3A = tpu.sem_alloc : memref<!tpu.dma_semaphore, #tpu.memory_space<semaphore_mem>>
        %dma_start3A_45 = arith.constant 0 : i32
        %dma_start3A_46 = tpu.memref_slice %arg32[%dma_start3A_45] : memref<1344xf32, #tpu.memory_space<vmem>> -> memref<1312xf32, #tpu.memory_space<vmem>>
        %dma_start3A_47 = tpu.memref_slice %arg5[%add3A_44] : memref<42048xf32, #tpu.memory_space<hbm>> -> memref<1312xf32, #tpu.memory_space<hbm>>
        %dma_start3A_48 = tpu.memref_slice %arg5[%add3A_44] : memref<42048xf32, #tpu.memory_space<hbm>> -> memref<1312xf32, #tpu.memory_space<hbm>>
        %dma_start3A_49 = arith.constant 0 : i32
        %dma_start3A_50 = tpu.memref_slice %arg32[%dma_start3A_49] : memref<1344xf32, #tpu.memory_space<vmem>> -> memref<1312xf32, #tpu.memory_space<vmem>>
        tpu.enqueue_dma source(%dma_start3A_50 : memref<1312xf32, #tpu.memory_space<vmem>>) target(%dma_start3A_48 : memref<1312xf32, #tpu.memory_space<hbm>>) target_semaphore(%run_scoped3A : memref<!tpu.dma_semaphore, #tpu.memory_space<semaphore_mem>>)
        %dma_wait3A = arith.constant 0 : i32
        %dma_wait3A_51 = tpu.memref_slice %arg32[%dma_wait3A] : memref<1344xf32, #tpu.memory_space<vmem>> -> memref<1312xf32, #tpu.memory_space<vmem>>
        %dma_wait3A_52 = tpu.memref_slice %arg5[%add3A_44] : memref<42048xf32, #tpu.memory_space<hbm>> -> memref<1312xf32, #tpu.memory_space<hbm>>
        %dma_wait3A_53 = tpu.memref_slice %arg5[%add3A_44] : memref<42048xf32, #tpu.memory_space<hbm>> -> memref<1312xf32, #tpu.memory_space<hbm>>
        %dma_wait3A_54 = arith.constant 0 : i32
        %dma_wait3A_55 = tpu.memref_slice %arg32[%dma_wait3A_54] : memref<1344xf32, #tpu.memory_space<vmem>> -> memref<1312xf32, #tpu.memory_space<vmem>>
        tpu.wait_dma2 semaphore(%run_scoped3A : memref<!tpu.dma_semaphore, #tpu.memory_space<semaphore_mem>>) src(%dma_wait3A_55 : memref<1312xf32, #tpu.memory_space<vmem>>) dst(%dma_wait3A_53 : memref<1312xf32, #tpu.memory_space<hbm>>)
        tpu.yield
      }) : () -> ()
    } else {
    }
    %eq3A_35 = arith.constant 15 : i32
    %eq3A_36 = arith.cmpi eq, %arg1, %eq3A_35 : i32
    %convert_element_type3A_37 = arith.extui %eq3A_36 : i1 to i32
    %cond3A_38 = arith.constant 0 : i32
    %cond3A_39 = arith.cmpi ne, %convert_element_type3A_37, %cond3A_38 : i32
    scf.if %cond3A_39 {
      "tpu.region"() ({
        %run_scoped3A = tpu.sem_alloc : memref<!tpu.dma_semaphore, #tpu.memory_space<semaphore_mem>>
        %dma_start3A_44 = arith.constant 0 : i32
        %dma_start3A_45 = tpu.memref_slice %arg32[%dma_start3A_44] : memref<1344xf32, #tpu.memory_space<vmem>> -> memref<1344xf32, #tpu.memory_space<vmem>>
        %dma_start3A_46 = arith.constant 19680 : i32
        %dma_start3A_47 = tpu.memref_slice %arg6[%dma_start3A_46] : memref<21024xf32, #tpu.memory_space<vmem_shared>> -> memref<1344xf32, #tpu.memory_space<vmem_shared>>
        %dma_start3A_48 = arith.constant 0 : i32
        %dma_start3A_49 = tpu.memref_slice %arg32[%dma_start3A_48] : memref<1344xf32, #tpu.memory_space<vmem>> -> memref<1344xf32, #tpu.memory_space<vmem>>
        %dma_start3A_50 = arith.constant 19680 : i32
        %dma_start3A_51 = tpu.memref_slice %arg6[%dma_start3A_50] : memref<21024xf32, #tpu.memory_space<vmem_shared>> -> memref<1344xf32, #tpu.memory_space<vmem_shared>>
        tpu.enqueue_dma source(%dma_start3A_51 : memref<1344xf32, #tpu.memory_space<vmem_shared>>) target(%dma_start3A_49 : memref<1344xf32, #tpu.memory_space<vmem>>) target_semaphore(%run_scoped3A : memref<!tpu.dma_semaphore, #tpu.memory_space<semaphore_mem>>)
        %dma_wait3A = arith.constant 0 : i32
        %dma_wait3A_52 = tpu.memref_slice %arg32[%dma_wait3A] : memref<1344xf32, #tpu.memory_space<vmem>> -> memref<1344xf32, #tpu.memory_space<vmem>>
        %dma_wait3A_53 = arith.constant 19680 : i32
        %dma_wait3A_54 = tpu.memref_slice %arg6[%dma_wait3A_53] : memref<21024xf32, #tpu.memory_space<vmem_shared>> -> memref<1344xf32, #tpu.memory_space<vmem_shared>>
        %dma_wait3A_55 = arith.constant 0 : i32
        %dma_wait3A_56 = tpu.memref_slice %arg32[%dma_wait3A_55] : memref<1344xf32, #tpu.memory_space<vmem>> -> memref<1344xf32, #tpu.memory_space<vmem>>
        %dma_wait3A_57 = arith.constant 19680 : i32
        %dma_wait3A_58 = tpu.memref_slice %arg6[%dma_wait3A_57] : memref<21024xf32, #tpu.memory_space<vmem_shared>> -> memref<1344xf32, #tpu.memory_space<vmem_shared>>
        tpu.wait_dma2 semaphore(%run_scoped3A : memref<!tpu.dma_semaphore, #tpu.memory_space<semaphore_mem>>) src(%dma_wait3A_58 : memref<1344xf32, #tpu.memory_space<vmem_shared>>) dst(%dma_wait3A_56 : memref<1344xf32, #tpu.memory_space<vmem>>)
        tpu.yield
      }) : () -> ()
      %mul3A_40 = arith.constant 21024 : i32
      %mul3A_41 = arith.muli %arg0, %mul3A_40 : i32
      %add3A_42 = arith.constant 19680 : i32
      %add3A_43 = arith.addi %mul3A_41, %add3A_42 : i32
      "tpu.region"() ({
        %run_scoped3A = tpu.sem_alloc : memref<!tpu.dma_semaphore, #tpu.memory_space<semaphore_mem>>
        %dma_start3A_44 = arith.constant 0 : i32
        %dma_start3A_45 = tpu.memref_slice %arg32[%dma_start3A_44] : memref<1344xf32, #tpu.memory_space<vmem>> -> memref<1344xf32, #tpu.memory_space<vmem>>
        %dma_start3A_46 = tpu.memref_slice %arg5[%add3A_43] : memref<42048xf32, #tpu.memory_space<hbm>> -> memref<1344xf32, #tpu.memory_space<hbm>>
        %dma_start3A_47 = tpu.memref_slice %arg5[%add3A_43] : memref<42048xf32, #tpu.memory_space<hbm>> -> memref<1344xf32, #tpu.memory_space<hbm>>
        %dma_start3A_48 = arith.constant 0 : i32
        %dma_start3A_49 = tpu.memref_slice %arg32[%dma_start3A_48] : memref<1344xf32, #tpu.memory_space<vmem>> -> memref<1344xf32, #tpu.memory_space<vmem>>
        tpu.enqueue_dma source(%dma_start3A_49 : memref<1344xf32, #tpu.memory_space<vmem>>) target(%dma_start3A_47 : memref<1344xf32, #tpu.memory_space<hbm>>) target_semaphore(%run_scoped3A : memref<!tpu.dma_semaphore, #tpu.memory_space<semaphore_mem>>)
        %dma_wait3A = arith.constant 0 : i32
        %dma_wait3A_50 = tpu.memref_slice %arg32[%dma_wait3A] : memref<1344xf32, #tpu.memory_space<vmem>> -> memref<1344xf32, #tpu.memory_space<vmem>>
        %dma_wait3A_51 = tpu.memref_slice %arg5[%add3A_43] : memref<42048xf32, #tpu.memory_space<hbm>> -> memref<1344xf32, #tpu.memory_space<hbm>>
        %dma_wait3A_52 = tpu.memref_slice %arg5[%add3A_43] : memref<42048xf32, #tpu.memory_space<hbm>> -> memref<1344xf32, #tpu.memory_space<hbm>>
        %dma_wait3A_53 = arith.constant 0 : i32
        %dma_wait3A_54 = tpu.memref_slice %arg32[%dma_wait3A_53] : memref<1344xf32, #tpu.memory_space<vmem>> -> memref<1344xf32, #tpu.memory_space<vmem>>
        tpu.wait_dma2 semaphore(%run_scoped3A : memref<!tpu.dma_semaphore, #tpu.memory_space<semaphore_mem>>) src(%dma_wait3A_54 : memref<1344xf32, #tpu.memory_space<vmem>>) dst(%dma_wait3A_52 : memref<1344xf32, #tpu.memory_space<hbm>>)
        tpu.yield
      }) : () -> ()
    } else {
    }
    return
  }
}

#map = affine_map<(d0, d1) -> (0, 0)>
#map1 = affine_map<(d0, d1) -> (0)>
module attributes {stable_mosaic.version = 14 : i64} {
  func.func @seg_kernel(%arg0: i32, %arg1: i32, %arg2: memref<10512x128xf32, #tpu.memory_space<hbm>>, %arg3: memref<2560x128xi32, #tpu.memory_space<hbm>>, %arg4: memref<327680xi32, #tpu.memory_space<hbm>>, %arg5: memref<10512x128xf32, #tpu.memory_space<hbm>>, %arg6: memref<21024x128xf32, #tpu.memory_space<hbm>>, %arg7: memref<10512x128xf32, #tpu.memory_space<vmem_shared>>, %arg8: memref<80x128xi32, #tpu.memory_space<vmem>>, %arg9: memref<128xi32, #tpu.memory_space<vmem>>, %arg10: memref<128xi32, #tpu.memory_space<vmem>>, %arg11: memref<128x128xf32, #tpu.memory_space<vmem>>, %arg12: memref<128x128xf32, #tpu.memory_space<vmem>>, %arg13: memref<!tpu.dma_semaphore, #tpu.memory_space<semaphore_mem>>, %arg14: memref<!tpu.dma_semaphore, #tpu.memory_space<semaphore_mem>>, %arg15: memref<!tpu.dma_semaphore, #tpu.memory_space<semaphore_mem>>, %arg16: memref<!tpu.dma_semaphore, #tpu.memory_space<semaphore_mem>>) attributes {dimension_semantics = [#tpu.dimension_semantics<core_parallel>, #tpu.dimension_semantics<subcore_parallel>], iteration_bounds = array<i64: 2, 16>, scalar_prefetch = 0 : i64, scratch_operands = 10 : i64, tpu.core_type = #tpu.core_type<sc_vector_subcore>, window_params = [{transform_indices = #map}, {transform_indices = #map}, {transform_indices = #map1}, {transform_indices = #map}, {transform_indices = #map}]} {
    %mul3A = arith.constant 16 : i32
    %mul3A_0 = arith.muli %arg0, %mul3A : i32
    %add3A = arith.addi %mul3A_0, %arg1 : i32
    %mul3A_1 = arith.constant 80 : i32
    %mul3A_2 = arith.muli %add3A, %mul3A_1 : i32
    %mul3A_3 = arith.constant 80 : i32
    %mul3A_4 = arith.muli %add3A, %mul3A_3 : i32
    %mul3A_5 = arith.constant 128 : i32
    %mul3A_6 = arith.muli %mul3A_4, %mul3A_5 : i32
    "tpu.region"() ({
      %run_scoped3A = tpu.sem_alloc : memref<!tpu.dma_semaphore, #tpu.memory_space<semaphore_mem>>
      %dma_start3A_43 = arith.constant 0 : i32
      %dma_start3A_44 = tpu.memref_slice %arg3[%mul3A_2, %dma_start3A_43] : memref<2560x128xi32, #tpu.memory_space<hbm>> -> memref<80x128xi32, #tpu.memory_space<hbm>>
      %dma_start3A_45 = arith.constant 0 : i32
      %dma_start3A_46 = tpu.memref_slice %arg3[%mul3A_2, %dma_start3A_45] : memref<2560x128xi32, #tpu.memory_space<hbm>> -> memref<80x128xi32, #tpu.memory_space<hbm>>
      tpu.enqueue_dma source(%dma_start3A_46 : memref<80x128xi32, #tpu.memory_space<hbm>>) target(%arg8 : memref<80x128xi32, #tpu.memory_space<vmem>>) target_semaphore(%run_scoped3A : memref<!tpu.dma_semaphore, #tpu.memory_space<semaphore_mem>>)
      %dma_wait3A = arith.constant 0 : i32
      %dma_wait3A_47 = tpu.memref_slice %arg3[%mul3A_2, %dma_wait3A] : memref<2560x128xi32, #tpu.memory_space<hbm>> -> memref<80x128xi32, #tpu.memory_space<hbm>>
      %dma_wait3A_48 = arith.constant 0 : i32
      %dma_wait3A_49 = tpu.memref_slice %arg3[%mul3A_2, %dma_wait3A_48] : memref<2560x128xi32, #tpu.memory_space<hbm>> -> memref<80x128xi32, #tpu.memory_space<hbm>>
      tpu.wait_dma2 semaphore(%run_scoped3A : memref<!tpu.dma_semaphore, #tpu.memory_space<semaphore_mem>>) src(%dma_wait3A_49 : memref<80x128xi32, #tpu.memory_space<hbm>>) dst(%arg8 : memref<80x128xi32, #tpu.memory_space<vmem>>)
      tpu.yield
    }) : () -> ()
    %add3A_7 = arith.constant 0 : i32
    %add3A_8 = arith.addi %mul3A_6, %add3A_7 : i32
    %dma_start3A = tpu.memref_slice %arg4[%add3A_8] : memref<327680xi32, #tpu.memory_space<hbm>> -> memref<128xi32, #tpu.memory_space<hbm>>
    %dma_start3A_9 = tpu.memref_slice %arg4[%add3A_8] : memref<327680xi32, #tpu.memory_space<hbm>> -> memref<128xi32, #tpu.memory_space<hbm>>
    tpu.enqueue_dma source(%dma_start3A_9 : memref<128xi32, #tpu.memory_space<hbm>>) target(%arg9 : memref<128xi32, #tpu.memory_space<vmem>>) target_semaphore(%arg15 : memref<!tpu.dma_semaphore, #tpu.memory_space<semaphore_mem>>)
    %add3A_10 = arith.constant 128 : i32
    %add3A_11 = arith.addi %mul3A_6, %add3A_10 : i32
    %dma_start3A_12 = tpu.memref_slice %arg4[%add3A_11] : memref<327680xi32, #tpu.memory_space<hbm>> -> memref<128xi32, #tpu.memory_space<hbm>>
    %dma_start3A_13 = tpu.memref_slice %arg4[%add3A_11] : memref<327680xi32, #tpu.memory_space<hbm>> -> memref<128xi32, #tpu.memory_space<hbm>>
    tpu.enqueue_dma source(%dma_start3A_13 : memref<128xi32, #tpu.memory_space<hbm>>) target(%arg10 : memref<128xi32, #tpu.memory_space<vmem>>) target_semaphore(%arg16 : memref<!tpu.dma_semaphore, #tpu.memory_space<semaphore_mem>>)
    %dma_start3A_14 = arith.constant 0 : i32
    %dma_start3A_15 = arith.constant 0 : i32
    %dma_start3A_16 = tpu.memref_slice %arg8[%dma_start3A_14, %dma_start3A_15] : memref<80x128xi32, #tpu.memory_space<vmem>> -> memref<1x128xi32, #tpu.memory_space<vmem>>
    %dma_start3A_17 = tpu.memref_squeeze %dma_start3A_16 : memref<1x128xi32, #tpu.memory_space<vmem>> -> memref<128xi32, #tpu.memory_space<vmem>>
    %dma_start3A_18 = arith.constant 0 : i32
    %dma_start3A_19 = arith.constant 0 : i32
    %dma_start3A_20 = tpu.memref_slice %arg2[%dma_start3A_18, %dma_start3A_19] : memref<10512x128xf32, #tpu.memory_space<hbm>> -> memref<10512x128xf32, #tpu.memory_space<hbm>>
    tpu.enqueue_indirect_dma source(%dma_start3A_20 : memref<10512x128xf32, #tpu.memory_space<hbm>>) target(%arg11 : memref<128x128xf32, #tpu.memory_space<vmem>>) offsets(%dma_start3A_17 : memref<128xi32, #tpu.memory_space<vmem>>) semaphore(%arg13 : memref<!tpu.dma_semaphore, #tpu.memory_space<semaphore_mem>>)
    %lt3A = arith.constant 15 : i32
    %lt3A_21 = arith.cmpi slt, %arg1, %lt3A : i32
    %convert_element_type3A = arith.extui %lt3A_21 : i1 to i32
    %cond3A = arith.constant 0 : i32
    %cond3A_22 = arith.cmpi ne, %convert_element_type3A, %cond3A : i32
    scf.if %cond3A_22 {
      %mul3A_43 = arith.constant 656 : i32
      %mul3A_44 = arith.muli %arg1, %mul3A_43 : i32
      %multiple_of3A = tpu.assume_multiple %mul3A_44, 8 : i32
      "tpu.region"() ({
        %run_scoped3A = tpu.sem_alloc : memref<!tpu.dma_semaphore, #tpu.memory_space<semaphore_mem>>
        %dma_start3A_45 = arith.constant 0 : i32
        %dma_start3A_46 = tpu.memref_slice %arg7[%multiple_of3A, %dma_start3A_45] : memref<10512x128xf32, #tpu.memory_space<vmem_shared>> -> memref<656x128xf32, #tpu.memory_space<vmem_shared>>
        %dma_start3A_47 = arith.constant 0 : i32
        %dma_start3A_48 = tpu.memref_slice %arg5[%multiple_of3A, %dma_start3A_47] : memref<10512x128xf32, #tpu.memory_space<hbm>> -> memref<656x128xf32, #tpu.memory_space<hbm>>
        tpu.enqueue_dma source(%dma_start3A_48 : memref<656x128xf32, #tpu.memory_space<hbm>>) target(%dma_start3A_46 : memref<656x128xf32, #tpu.memory_space<vmem_shared>>) target_semaphore(%run_scoped3A : memref<!tpu.dma_semaphore, #tpu.memory_space<semaphore_mem>>)
        %dma_wait3A = arith.constant 0 : i32
        %dma_wait3A_49 = tpu.memref_slice %arg7[%multiple_of3A, %dma_wait3A] : memref<10512x128xf32, #tpu.memory_space<vmem_shared>> -> memref<656x128xf32, #tpu.memory_space<vmem_shared>>
        %dma_wait3A_50 = arith.constant 0 : i32
        %dma_wait3A_51 = tpu.memref_slice %arg5[%multiple_of3A, %dma_wait3A_50] : memref<10512x128xf32, #tpu.memory_space<hbm>> -> memref<656x128xf32, #tpu.memory_space<hbm>>
        tpu.wait_dma2 semaphore(%run_scoped3A : memref<!tpu.dma_semaphore, #tpu.memory_space<semaphore_mem>>) src(%dma_wait3A_51 : memref<656x128xf32, #tpu.memory_space<hbm>>) dst(%dma_wait3A_49 : memref<656x128xf32, #tpu.memory_space<vmem_shared>>)
        tpu.yield
      }) : () -> ()
    } else {
    }
    %eq3A = arith.constant 15 : i32
    %eq3A_23 = arith.cmpi eq, %arg1, %eq3A : i32
    %convert_element_type3A_24 = arith.extui %eq3A_23 : i1 to i32
    %cond3A_25 = arith.constant 0 : i32
    %cond3A_26 = arith.cmpi ne, %convert_element_type3A_24, %cond3A_25 : i32
    scf.if %cond3A_26 {
      "tpu.region"() ({
        %run_scoped3A = tpu.sem_alloc : memref<!tpu.dma_semaphore, #tpu.memory_space<semaphore_mem>>
        %dma_start3A_43 = arith.constant 9840 : i32
        %dma_start3A_44 = arith.constant 0 : i32
        %dma_start3A_45 = tpu.memref_slice %arg7[%dma_start3A_43, %dma_start3A_44] : memref<10512x128xf32, #tpu.memory_space<vmem_shared>> -> memref<672x128xf32, #tpu.memory_space<vmem_shared>>
        %dma_start3A_46 = arith.constant 9840 : i32
        %dma_start3A_47 = arith.constant 0 : i32
        %dma_start3A_48 = tpu.memref_slice %arg5[%dma_start3A_46, %dma_start3A_47] : memref<10512x128xf32, #tpu.memory_space<hbm>> -> memref<672x128xf32, #tpu.memory_space<hbm>>
        tpu.enqueue_dma source(%dma_start3A_48 : memref<672x128xf32, #tpu.memory_space<hbm>>) target(%dma_start3A_45 : memref<672x128xf32, #tpu.memory_space<vmem_shared>>) target_semaphore(%run_scoped3A : memref<!tpu.dma_semaphore, #tpu.memory_space<semaphore_mem>>)
        %dma_wait3A = arith.constant 9840 : i32
        %dma_wait3A_49 = arith.constant 0 : i32
        %dma_wait3A_50 = tpu.memref_slice %arg7[%dma_wait3A, %dma_wait3A_49] : memref<10512x128xf32, #tpu.memory_space<vmem_shared>> -> memref<672x128xf32, #tpu.memory_space<vmem_shared>>
        %dma_wait3A_51 = arith.constant 9840 : i32
        %dma_wait3A_52 = arith.constant 0 : i32
        %dma_wait3A_53 = tpu.memref_slice %arg5[%dma_wait3A_51, %dma_wait3A_52] : memref<10512x128xf32, #tpu.memory_space<hbm>> -> memref<672x128xf32, #tpu.memory_space<hbm>>
        tpu.wait_dma2 semaphore(%run_scoped3A : memref<!tpu.dma_semaphore, #tpu.memory_space<semaphore_mem>>) src(%dma_wait3A_53 : memref<672x128xf32, #tpu.memory_space<hbm>>) dst(%dma_wait3A_50 : memref<672x128xf32, #tpu.memory_space<vmem_shared>>)
        tpu.yield
      }) : () -> ()
    } else {
    }
    %barrier3A = arith.constant 0 : index
    tpu.barrier barrier_id(%barrier3A)
    %scan3A = arith.constant 0 : i32
    %scan3A_27 = arith.constant 0 : i32
    %scan3A_28 = arith.constant 40 : i32
    %scan3A_29 = arith.addi %scan3A_27, %scan3A_28 : i32
    %scan3A_30 = arith.constant 1 : i32
    scf.for %scan3A_43 = %scan3A_27 to %scan3A_29 step %scan3A_30  : i32 {
      %mul3A_44 = arith.constant 2 : i32
      %mul3A_45 = arith.muli %mul3A_44, %scan3A_43 : i32
      %add3A_46 = arith.constant 1 : i32
      %add3A_47 = arith.addi %mul3A_45, %add3A_46 : i32
      %dma_start3A_48 = arith.constant 0 : i32
      %dma_start3A_49 = tpu.memref_slice %arg8[%add3A_47, %dma_start3A_48] : memref<80x128xi32, #tpu.memory_space<vmem>> -> memref<1x128xi32, #tpu.memory_space<vmem>>
      %dma_start3A_50 = tpu.memref_squeeze %dma_start3A_49 : memref<1x128xi32, #tpu.memory_space<vmem>> -> memref<128xi32, #tpu.memory_space<vmem>>
      %dma_start3A_51 = arith.constant 0 : i32
      %dma_start3A_52 = arith.constant 0 : i32
      %dma_start3A_53 = tpu.memref_slice %arg2[%dma_start3A_51, %dma_start3A_52] : memref<10512x128xf32, #tpu.memory_space<hbm>> -> memref<10512x128xf32, #tpu.memory_space<hbm>>
      tpu.enqueue_indirect_dma source(%dma_start3A_53 : memref<10512x128xf32, #tpu.memory_space<hbm>>) target(%arg12 : memref<128x128xf32, #tpu.memory_space<vmem>>) offsets(%dma_start3A_50 : memref<128xi32, #tpu.memory_space<vmem>>) semaphore(%arg14 : memref<!tpu.dma_semaphore, #tpu.memory_space<semaphore_mem>>)
      %mul3A_54 = arith.constant 128 : i32
      %mul3A_55 = arith.muli %mul3A_45, %mul3A_54 : i32
      %add3A_56 = arith.addi %mul3A_6, %mul3A_55 : i32
      %dma_wait3A = tpu.memref_slice %arg4[%add3A_56] : memref<327680xi32, #tpu.memory_space<hbm>> -> memref<128xi32, #tpu.memory_space<hbm>>
      %dma_wait3A_57 = tpu.memref_slice %arg4[%add3A_56] : memref<327680xi32, #tpu.memory_space<hbm>> -> memref<128xi32, #tpu.memory_space<hbm>>
      tpu.wait_dma2 semaphore(%arg15 : memref<!tpu.dma_semaphore, #tpu.memory_space<semaphore_mem>>) src(%dma_wait3A_57 : memref<128xi32, #tpu.memory_space<hbm>>) dst(%arg9 : memref<128xi32, #tpu.memory_space<vmem>>)
      %dma_wait3A_58 = arith.constant 0 : i32
      %dma_wait3A_59 = tpu.memref_slice %arg8[%mul3A_45, %dma_wait3A_58] : memref<80x128xi32, #tpu.memory_space<vmem>> -> memref<1x128xi32, #tpu.memory_space<vmem>>
      %dma_wait3A_60 = tpu.memref_squeeze %dma_wait3A_59 : memref<1x128xi32, #tpu.memory_space<vmem>> -> memref<128xi32, #tpu.memory_space<vmem>>
      %dma_wait3A_61 = arith.constant 0 : i32
      %dma_wait3A_62 = arith.constant 0 : i32
      %dma_wait3A_63 = tpu.memref_slice %arg2[%dma_wait3A_61, %dma_wait3A_62] : memref<10512x128xf32, #tpu.memory_space<hbm>> -> memref<10512x128xf32, #tpu.memory_space<hbm>>
      tpu.wait_indirect_dma semaphore(%arg13 : memref<!tpu.dma_semaphore, #tpu.memory_space<semaphore_mem>>) src(%dma_wait3A_63 : memref<10512x128xf32, #tpu.memory_space<hbm>>) dst(%arg11 : memref<128x128xf32, #tpu.memory_space<vmem>>)
      "tpu.region"() ({
        %run_scoped3A = tpu.sem_alloc : memref<!tpu.dma_semaphore, #tpu.memory_space<semaphore_mem>>
        %dma_start3A_96 = arith.constant 0 : i32
        %dma_start3A_97 = arith.constant 0 : i32
        %dma_start3A_98 = tpu.memref_slice %arg7[%dma_start3A_96, %dma_start3A_97] : memref<10512x128xf32, #tpu.memory_space<vmem_shared>> -> memref<10512x128xf32, #tpu.memory_space<vmem_shared>>
        tpu.enqueue_indirect_dma source(%arg11 : memref<128x128xf32, #tpu.memory_space<vmem>>) target(%dma_start3A_98 : memref<10512x128xf32, #tpu.memory_space<vmem_shared>>) offsets(%arg9 : memref<128xi32, #tpu.memory_space<vmem>>) semaphore(%run_scoped3A : memref<!tpu.dma_semaphore, #tpu.memory_space<semaphore_mem>>) {add = true}
        %dma_wait3A_99 = arith.constant 0 : i32
        %dma_wait3A_100 = arith.constant 0 : i32
        %dma_wait3A_101 = tpu.memref_slice %arg7[%dma_wait3A_99, %dma_wait3A_100] : memref<10512x128xf32, #tpu.memory_space<vmem_shared>> -> memref<10512x128xf32, #tpu.memory_space<vmem_shared>>
        tpu.wait_indirect_dma semaphore(%run_scoped3A : memref<!tpu.dma_semaphore, #tpu.memory_space<semaphore_mem>>) src(%arg11 : memref<128x128xf32, #tpu.memory_space<vmem>>) dst(%dma_wait3A_101 : memref<10512x128xf32, #tpu.memory_space<vmem_shared>>)
        tpu.yield
      }) : () -> ()
      %add3A_64 = arith.constant 2 : i32
      %add3A_65 = arith.addi %mul3A_45, %add3A_64 : i32
      %lt3A_66 = arith.constant 80 : i32
      %lt3A_67 = arith.cmpi slt, %add3A_65, %lt3A_66 : i32
      %convert_element_type3A_68 = arith.extui %lt3A_67 : i1 to i32
      %cond3A_69 = arith.constant 0 : i32
      %cond3A_70 = arith.cmpi ne, %convert_element_type3A_68, %cond3A_69 : i32
      scf.if %cond3A_70 {
        %add3A_96 = arith.constant 2 : i32
        %add3A_97 = arith.addi %mul3A_45, %add3A_96 : i32
        %mul3A_98 = arith.constant 128 : i32
        %mul3A_99 = arith.muli %add3A_97, %mul3A_98 : i32
        %add3A_100 = arith.addi %mul3A_6, %mul3A_99 : i32
        %dma_start3A_101 = tpu.memref_slice %arg4[%add3A_100] : memref<327680xi32, #tpu.memory_space<hbm>> -> memref<128xi32, #tpu.memory_space<hbm>>
        %dma_start3A_102 = tpu.memref_slice %arg4[%add3A_100] : memref<327680xi32, #tpu.memory_space<hbm>> -> memref<128xi32, #tpu.memory_space<hbm>>
        tpu.enqueue_dma source(%dma_start3A_102 : memref<128xi32, #tpu.memory_space<hbm>>) target(%arg9 : memref<128xi32, #tpu.memory_space<vmem>>) target_semaphore(%arg15 : memref<!tpu.dma_semaphore, #tpu.memory_space<semaphore_mem>>)
      } else {
      }
      %lt3A_71 = arith.constant 39 : i32
      %lt3A_72 = arith.cmpi slt, %scan3A_43, %lt3A_71 : i32
      %convert_element_type3A_73 = arith.extui %lt3A_72 : i1 to i32
      %cond3A_74 = arith.constant 0 : i32
      %cond3A_75 = arith.cmpi ne, %convert_element_type3A_73, %cond3A_74 : i32
      scf.if %cond3A_75 {
        %add3A_96 = arith.constant 2 : i32
        %add3A_97 = arith.addi %mul3A_45, %add3A_96 : i32
        %dma_start3A_98 = arith.constant 0 : i32
        %dma_start3A_99 = tpu.memref_slice %arg8[%add3A_97, %dma_start3A_98] : memref<80x128xi32, #tpu.memory_space<vmem>> -> memref<1x128xi32, #tpu.memory_space<vmem>>
        %dma_start3A_100 = tpu.memref_squeeze %dma_start3A_99 : memref<1x128xi32, #tpu.memory_space<vmem>> -> memref<128xi32, #tpu.memory_space<vmem>>
        %dma_start3A_101 = arith.constant 0 : i32
        %dma_start3A_102 = arith.constant 0 : i32
        %dma_start3A_103 = tpu.memref_slice %arg2[%dma_start3A_101, %dma_start3A_102] : memref<10512x128xf32, #tpu.memory_space<hbm>> -> memref<10512x128xf32, #tpu.memory_space<hbm>>
        tpu.enqueue_indirect_dma source(%dma_start3A_103 : memref<10512x128xf32, #tpu.memory_space<hbm>>) target(%arg11 : memref<128x128xf32, #tpu.memory_space<vmem>>) offsets(%dma_start3A_100 : memref<128xi32, #tpu.memory_space<vmem>>) semaphore(%arg13 : memref<!tpu.dma_semaphore, #tpu.memory_space<semaphore_mem>>)
      } else {
      }
      %add3A_76 = arith.constant 1 : i32
      %add3A_77 = arith.addi %mul3A_45, %add3A_76 : i32
      %mul3A_78 = arith.constant 128 : i32
      %mul3A_79 = arith.muli %add3A_77, %mul3A_78 : i32
      %add3A_80 = arith.addi %mul3A_6, %mul3A_79 : i32
      %dma_wait3A_81 = tpu.memref_slice %arg4[%add3A_80] : memref<327680xi32, #tpu.memory_space<hbm>> -> memref<128xi32, #tpu.memory_space<hbm>>
      %dma_wait3A_82 = tpu.memref_slice %arg4[%add3A_80] : memref<327680xi32, #tpu.memory_space<hbm>> -> memref<128xi32, #tpu.memory_space<hbm>>
      tpu.wait_dma2 semaphore(%arg16 : memref<!tpu.dma_semaphore, #tpu.memory_space<semaphore_mem>>) src(%dma_wait3A_82 : memref<128xi32, #tpu.memory_space<hbm>>) dst(%arg10 : memref<128xi32, #tpu.memory_space<vmem>>)
      %dma_wait3A_83 = arith.constant 0 : i32
      %dma_wait3A_84 = tpu.memref_slice %arg8[%add3A_77, %dma_wait3A_83] : memref<80x128xi32, #tpu.memory_space<vmem>> -> memref<1x128xi32, #tpu.memory_space<vmem>>
      %dma_wait3A_85 = tpu.memref_squeeze %dma_wait3A_84 : memref<1x128xi32, #tpu.memory_space<vmem>> -> memref<128xi32, #tpu.memory_space<vmem>>
      %dma_wait3A_86 = arith.constant 0 : i32
      %dma_wait3A_87 = arith.constant 0 : i32
      %dma_wait3A_88 = tpu.memref_slice %arg2[%dma_wait3A_86, %dma_wait3A_87] : memref<10512x128xf32, #tpu.memory_space<hbm>> -> memref<10512x128xf32, #tpu.memory_space<hbm>>
      tpu.wait_indirect_dma semaphore(%arg14 : memref<!tpu.dma_semaphore, #tpu.memory_space<semaphore_mem>>) src(%dma_wait3A_88 : memref<10512x128xf32, #tpu.memory_space<hbm>>) dst(%arg12 : memref<128x128xf32, #tpu.memory_space<vmem>>)
      "tpu.region"() ({
        %run_scoped3A = tpu.sem_alloc : memref<!tpu.dma_semaphore, #tpu.memory_space<semaphore_mem>>
        %dma_start3A_96 = arith.constant 0 : i32
        %dma_start3A_97 = arith.constant 0 : i32
        %dma_start3A_98 = tpu.memref_slice %arg7[%dma_start3A_96, %dma_start3A_97] : memref<10512x128xf32, #tpu.memory_space<vmem_shared>> -> memref<10512x128xf32, #tpu.memory_space<vmem_shared>>
        tpu.enqueue_indirect_dma source(%arg12 : memref<128x128xf32, #tpu.memory_space<vmem>>) target(%dma_start3A_98 : memref<10512x128xf32, #tpu.memory_space<vmem_shared>>) offsets(%arg10 : memref<128xi32, #tpu.memory_space<vmem>>) semaphore(%run_scoped3A : memref<!tpu.dma_semaphore, #tpu.memory_space<semaphore_mem>>) {add = true}
        %dma_wait3A_99 = arith.constant 0 : i32
        %dma_wait3A_100 = arith.constant 0 : i32
        %dma_wait3A_101 = tpu.memref_slice %arg7[%dma_wait3A_99, %dma_wait3A_100] : memref<10512x128xf32, #tpu.memory_space<vmem_shared>> -> memref<10512x128xf32, #tpu.memory_space<vmem_shared>>
        tpu.wait_indirect_dma semaphore(%run_scoped3A : memref<!tpu.dma_semaphore, #tpu.memory_space<semaphore_mem>>) src(%arg12 : memref<128x128xf32, #tpu.memory_space<vmem>>) dst(%dma_wait3A_101 : memref<10512x128xf32, #tpu.memory_space<vmem_shared>>)
        tpu.yield
      }) : () -> ()
      %add3A_89 = arith.constant 2 : i32
      %add3A_90 = arith.addi %add3A_77, %add3A_89 : i32
      %lt3A_91 = arith.constant 80 : i32
      %lt3A_92 = arith.cmpi slt, %add3A_90, %lt3A_91 : i32
      %convert_element_type3A_93 = arith.extui %lt3A_92 : i1 to i32
      %cond3A_94 = arith.constant 0 : i32
      %cond3A_95 = arith.cmpi ne, %convert_element_type3A_93, %cond3A_94 : i32
      scf.if %cond3A_95 {
        %add3A_96 = arith.constant 2 : i32
        %add3A_97 = arith.addi %add3A_77, %add3A_96 : i32
        %mul3A_98 = arith.constant 128 : i32
        %mul3A_99 = arith.muli %add3A_97, %mul3A_98 : i32
        %add3A_100 = arith.addi %mul3A_6, %mul3A_99 : i32
        %dma_start3A_101 = tpu.memref_slice %arg4[%add3A_100] : memref<327680xi32, #tpu.memory_space<hbm>> -> memref<128xi32, #tpu.memory_space<hbm>>
        %dma_start3A_102 = tpu.memref_slice %arg4[%add3A_100] : memref<327680xi32, #tpu.memory_space<hbm>> -> memref<128xi32, #tpu.memory_space<hbm>>
        tpu.enqueue_dma source(%dma_start3A_102 : memref<128xi32, #tpu.memory_space<hbm>>) target(%arg10 : memref<128xi32, #tpu.memory_space<vmem>>) target_semaphore(%arg16 : memref<!tpu.dma_semaphore, #tpu.memory_space<semaphore_mem>>)
      } else {
      }
    }
    %scan3A_31 = arith.constant 40 : i32
    %barrier3A_32 = arith.constant 0 : index
    tpu.barrier barrier_id(%barrier3A_32)
    %lt3A_33 = arith.constant 15 : i32
    %lt3A_34 = arith.cmpi slt, %arg1, %lt3A_33 : i32
    %convert_element_type3A_35 = arith.extui %lt3A_34 : i1 to i32
    %cond3A_36 = arith.constant 0 : i32
    %cond3A_37 = arith.cmpi ne, %convert_element_type3A_35, %cond3A_36 : i32
    scf.if %cond3A_37 {
      %mul3A_43 = arith.constant 656 : i32
      %mul3A_44 = arith.muli %arg1, %mul3A_43 : i32
      %multiple_of3A = tpu.assume_multiple %mul3A_44, 8 : i32
      %mul3A_45 = arith.constant 10512 : i32
      %mul3A_46 = arith.muli %arg0, %mul3A_45 : i32
      %add3A_47 = arith.addi %mul3A_46, %multiple_of3A : i32
      "tpu.region"() ({
        %run_scoped3A = tpu.sem_alloc : memref<!tpu.dma_semaphore, #tpu.memory_space<semaphore_mem>>
        %dma_start3A_48 = arith.constant 0 : i32
        %dma_start3A_49 = tpu.memref_slice %arg6[%add3A_47, %dma_start3A_48] : memref<21024x128xf32, #tpu.memory_space<hbm>> -> memref<656x128xf32, #tpu.memory_space<hbm>>
        %dma_start3A_50 = arith.constant 0 : i32
        %dma_start3A_51 = tpu.memref_slice %arg7[%multiple_of3A, %dma_start3A_50] : memref<10512x128xf32, #tpu.memory_space<vmem_shared>> -> memref<656x128xf32, #tpu.memory_space<vmem_shared>>
        tpu.enqueue_dma source(%dma_start3A_51 : memref<656x128xf32, #tpu.memory_space<vmem_shared>>) target(%dma_start3A_49 : memref<656x128xf32, #tpu.memory_space<hbm>>) target_semaphore(%run_scoped3A : memref<!tpu.dma_semaphore, #tpu.memory_space<semaphore_mem>>)
        %dma_wait3A = arith.constant 0 : i32
        %dma_wait3A_52 = tpu.memref_slice %arg6[%add3A_47, %dma_wait3A] : memref<21024x128xf32, #tpu.memory_space<hbm>> -> memref<656x128xf32, #tpu.memory_space<hbm>>
        %dma_wait3A_53 = arith.constant 0 : i32
        %dma_wait3A_54 = tpu.memref_slice %arg7[%multiple_of3A, %dma_wait3A_53] : memref<10512x128xf32, #tpu.memory_space<vmem_shared>> -> memref<656x128xf32, #tpu.memory_space<vmem_shared>>
        tpu.wait_dma2 semaphore(%run_scoped3A : memref<!tpu.dma_semaphore, #tpu.memory_space<semaphore_mem>>) src(%dma_wait3A_54 : memref<656x128xf32, #tpu.memory_space<vmem_shared>>) dst(%dma_wait3A_52 : memref<656x128xf32, #tpu.memory_space<hbm>>)
        tpu.yield
      }) : () -> ()
    } else {
    }
    %eq3A_38 = arith.constant 15 : i32
    %eq3A_39 = arith.cmpi eq, %arg1, %eq3A_38 : i32
    %convert_element_type3A_40 = arith.extui %eq3A_39 : i1 to i32
    %cond3A_41 = arith.constant 0 : i32
    %cond3A_42 = arith.cmpi ne, %convert_element_type3A_40, %cond3A_41 : i32
    scf.if %cond3A_42 {
      %mul3A_43 = arith.constant 10512 : i32
      %mul3A_44 = arith.muli %arg0, %mul3A_43 : i32
      %add3A_45 = arith.constant 9840 : i32
      %add3A_46 = arith.addi %mul3A_44, %add3A_45 : i32
      "tpu.region"() ({
        %run_scoped3A = tpu.sem_alloc : memref<!tpu.dma_semaphore, #tpu.memory_space<semaphore_mem>>
        %dma_start3A_47 = arith.constant 0 : i32
        %dma_start3A_48 = tpu.memref_slice %arg6[%add3A_46, %dma_start3A_47] : memref<21024x128xf32, #tpu.memory_space<hbm>> -> memref<672x128xf32, #tpu.memory_space<hbm>>
        %dma_start3A_49 = arith.constant 9840 : i32
        %dma_start3A_50 = arith.constant 0 : i32
        %dma_start3A_51 = tpu.memref_slice %arg7[%dma_start3A_49, %dma_start3A_50] : memref<10512x128xf32, #tpu.memory_space<vmem_shared>> -> memref<672x128xf32, #tpu.memory_space<vmem_shared>>
        tpu.enqueue_dma source(%dma_start3A_51 : memref<672x128xf32, #tpu.memory_space<vmem_shared>>) target(%dma_start3A_48 : memref<672x128xf32, #tpu.memory_space<hbm>>) target_semaphore(%run_scoped3A : memref<!tpu.dma_semaphore, #tpu.memory_space<semaphore_mem>>)
        %dma_wait3A = arith.constant 0 : i32
        %dma_wait3A_52 = tpu.memref_slice %arg6[%add3A_46, %dma_wait3A] : memref<21024x128xf32, #tpu.memory_space<hbm>> -> memref<672x128xf32, #tpu.memory_space<hbm>>
        %dma_wait3A_53 = arith.constant 9840 : i32
        %dma_wait3A_54 = arith.constant 0 : i32
        %dma_wait3A_55 = tpu.memref_slice %arg7[%dma_wait3A_53, %dma_wait3A_54] : memref<10512x128xf32, #tpu.memory_space<vmem_shared>> -> memref<672x128xf32, #tpu.memory_space<vmem_shared>>
        tpu.wait_dma2 semaphore(%run_scoped3A : memref<!tpu.dma_semaphore, #tpu.memory_space<semaphore_mem>>) src(%dma_wait3A_55 : memref<672x128xf32, #tpu.memory_space<vmem_shared>>) dst(%dma_wait3A_52 : memref<672x128xf32, #tpu.memory_space<hbm>>)
        tpu.yield
      }) : () -> ()
    } else {
    }
    return
  }
}

#map = affine_map<(d0, d1) -> (0, 0)>
#map1 = affine_map<(d0, d1) -> (0)>
module attributes {stable_mosaic.version = 14 : i64} {
  func.func @seg_kernel(%arg0: i32, %arg1: i32, %arg2: memref<10512x128xf32, #tpu.memory_space<hbm>>, %arg3: memref<2560x128xi32, #tpu.memory_space<hbm>>, %arg4: memref<327680xi32, #tpu.memory_space<hbm>>, %arg5: memref<10512x128xf32, #tpu.memory_space<hbm>>, %arg6: memref<21024x128xf32, #tpu.memory_space<hbm>>, %arg7: memref<10512x128xf32, #tpu.memory_space<vmem_shared>>, %arg8: memref<80x128xi32, #tpu.memory_space<vmem>>, %arg9: memref<128xi32, #tpu.memory_space<vmem>>, %arg10: memref<128xi32, #tpu.memory_space<vmem>>, %arg11: memref<128x128xf32, #tpu.memory_space<vmem>>, %arg12: memref<128x128xf32, #tpu.memory_space<vmem>>, %arg13: memref<!tpu.dma_semaphore, #tpu.memory_space<semaphore_mem>>, %arg14: memref<!tpu.dma_semaphore, #tpu.memory_space<semaphore_mem>>, %arg15: memref<!tpu.dma_semaphore, #tpu.memory_space<semaphore_mem>>, %arg16: memref<!tpu.dma_semaphore, #tpu.memory_space<semaphore_mem>>) attributes {dimension_semantics = [#tpu.dimension_semantics<core_parallel>, #tpu.dimension_semantics<subcore_parallel>], iteration_bounds = array<i64: 2, 16>, scalar_prefetch = 0 : i64, scratch_operands = 10 : i64, tpu.core_type = #tpu.core_type<sc_vector_subcore>, window_params = [{transform_indices = #map}, {transform_indices = #map}, {transform_indices = #map1}, {transform_indices = #map}, {transform_indices = #map}]} {
    %mul3A = arith.constant 16 : i32
    %mul3A_0 = arith.muli %arg0, %mul3A : i32
    %add3A = arith.addi %mul3A_0, %arg1 : i32
    %mul3A_1 = arith.constant 80 : i32
    %mul3A_2 = arith.muli %add3A, %mul3A_1 : i32
    %mul3A_3 = arith.constant 80 : i32
    %mul3A_4 = arith.muli %add3A, %mul3A_3 : i32
    %mul3A_5 = arith.constant 128 : i32
    %mul3A_6 = arith.muli %mul3A_4, %mul3A_5 : i32
    "tpu.region"() ({
      %run_scoped3A = tpu.sem_alloc : memref<!tpu.dma_semaphore, #tpu.memory_space<semaphore_mem>>
      %dma_start3A_43 = arith.constant 0 : i32
      %dma_start3A_44 = tpu.memref_slice %arg3[%mul3A_2, %dma_start3A_43] : memref<2560x128xi32, #tpu.memory_space<hbm>> -> memref<80x128xi32, #tpu.memory_space<hbm>>
      %dma_start3A_45 = arith.constant 0 : i32
      %dma_start3A_46 = tpu.memref_slice %arg3[%mul3A_2, %dma_start3A_45] : memref<2560x128xi32, #tpu.memory_space<hbm>> -> memref<80x128xi32, #tpu.memory_space<hbm>>
      tpu.enqueue_dma source(%dma_start3A_46 : memref<80x128xi32, #tpu.memory_space<hbm>>) target(%arg8 : memref<80x128xi32, #tpu.memory_space<vmem>>) target_semaphore(%run_scoped3A : memref<!tpu.dma_semaphore, #tpu.memory_space<semaphore_mem>>)
      %dma_wait3A = arith.constant 0 : i32
      %dma_wait3A_47 = tpu.memref_slice %arg3[%mul3A_2, %dma_wait3A] : memref<2560x128xi32, #tpu.memory_space<hbm>> -> memref<80x128xi32, #tpu.memory_space<hbm>>
      %dma_wait3A_48 = arith.constant 0 : i32
      %dma_wait3A_49 = tpu.memref_slice %arg3[%mul3A_2, %dma_wait3A_48] : memref<2560x128xi32, #tpu.memory_space<hbm>> -> memref<80x128xi32, #tpu.memory_space<hbm>>
      tpu.wait_dma2 semaphore(%run_scoped3A : memref<!tpu.dma_semaphore, #tpu.memory_space<semaphore_mem>>) src(%dma_wait3A_49 : memref<80x128xi32, #tpu.memory_space<hbm>>) dst(%arg8 : memref<80x128xi32, #tpu.memory_space<vmem>>)
      tpu.yield
    }) : () -> ()
    %add3A_7 = arith.constant 0 : i32
    %add3A_8 = arith.addi %mul3A_6, %add3A_7 : i32
    %dma_start3A = tpu.memref_slice %arg4[%add3A_8] : memref<327680xi32, #tpu.memory_space<hbm>> -> memref<128xi32, #tpu.memory_space<hbm>>
    %dma_start3A_9 = tpu.memref_slice %arg4[%add3A_8] : memref<327680xi32, #tpu.memory_space<hbm>> -> memref<128xi32, #tpu.memory_space<hbm>>
    tpu.enqueue_dma source(%dma_start3A_9 : memref<128xi32, #tpu.memory_space<hbm>>) target(%arg9 : memref<128xi32, #tpu.memory_space<vmem>>) target_semaphore(%arg15 : memref<!tpu.dma_semaphore, #tpu.memory_space<semaphore_mem>>)
    %add3A_10 = arith.constant 128 : i32
    %add3A_11 = arith.addi %mul3A_6, %add3A_10 : i32
    %dma_start3A_12 = tpu.memref_slice %arg4[%add3A_11] : memref<327680xi32, #tpu.memory_space<hbm>> -> memref<128xi32, #tpu.memory_space<hbm>>
    %dma_start3A_13 = tpu.memref_slice %arg4[%add3A_11] : memref<327680xi32, #tpu.memory_space<hbm>> -> memref<128xi32, #tpu.memory_space<hbm>>
    tpu.enqueue_dma source(%dma_start3A_13 : memref<128xi32, #tpu.memory_space<hbm>>) target(%arg10 : memref<128xi32, #tpu.memory_space<vmem>>) target_semaphore(%arg16 : memref<!tpu.dma_semaphore, #tpu.memory_space<semaphore_mem>>)
    %dma_start3A_14 = arith.constant 0 : i32
    %dma_start3A_15 = arith.constant 0 : i32
    %dma_start3A_16 = tpu.memref_slice %arg8[%dma_start3A_14, %dma_start3A_15] : memref<80x128xi32, #tpu.memory_space<vmem>> -> memref<1x128xi32, #tpu.memory_space<vmem>>
    %dma_start3A_17 = tpu.memref_squeeze %dma_start3A_16 : memref<1x128xi32, #tpu.memory_space<vmem>> -> memref<128xi32, #tpu.memory_space<vmem>>
    %dma_start3A_18 = arith.constant 0 : i32
    %dma_start3A_19 = arith.constant 0 : i32
    %dma_start3A_20 = tpu.memref_slice %arg2[%dma_start3A_18, %dma_start3A_19] : memref<10512x128xf32, #tpu.memory_space<hbm>> -> memref<10512x128xf32, #tpu.memory_space<hbm>>
    tpu.enqueue_indirect_dma source(%dma_start3A_20 : memref<10512x128xf32, #tpu.memory_space<hbm>>) target(%arg11 : memref<128x128xf32, #tpu.memory_space<vmem>>) offsets(%dma_start3A_17 : memref<128xi32, #tpu.memory_space<vmem>>) semaphore(%arg13 : memref<!tpu.dma_semaphore, #tpu.memory_space<semaphore_mem>>)
    %lt3A = arith.constant 15 : i32
    %lt3A_21 = arith.cmpi slt, %arg1, %lt3A : i32
    %convert_element_type3A = arith.extui %lt3A_21 : i1 to i32
    %cond3A = arith.constant 0 : i32
    %cond3A_22 = arith.cmpi ne, %convert_element_type3A, %cond3A : i32
    scf.if %cond3A_22 {
      %mul3A_43 = arith.constant 656 : i32
      %mul3A_44 = arith.muli %arg1, %mul3A_43 : i32
      %multiple_of3A = tpu.assume_multiple %mul3A_44, 8 : i32
      "tpu.region"() ({
        %run_scoped3A = tpu.sem_alloc : memref<!tpu.dma_semaphore, #tpu.memory_space<semaphore_mem>>
        %dma_start3A_45 = arith.constant 0 : i32
        %dma_start3A_46 = tpu.memref_slice %arg7[%multiple_of3A, %dma_start3A_45] : memref<10512x128xf32, #tpu.memory_space<vmem_shared>> -> memref<656x128xf32, #tpu.memory_space<vmem_shared>>
        %dma_start3A_47 = arith.constant 0 : i32
        %dma_start3A_48 = tpu.memref_slice %arg5[%multiple_of3A, %dma_start3A_47] : memref<10512x128xf32, #tpu.memory_space<hbm>> -> memref<656x128xf32, #tpu.memory_space<hbm>>
        tpu.enqueue_dma source(%dma_start3A_48 : memref<656x128xf32, #tpu.memory_space<hbm>>) target(%dma_start3A_46 : memref<656x128xf32, #tpu.memory_space<vmem_shared>>) target_semaphore(%run_scoped3A : memref<!tpu.dma_semaphore, #tpu.memory_space<semaphore_mem>>)
        %dma_wait3A = arith.constant 0 : i32
        %dma_wait3A_49 = tpu.memref_slice %arg7[%multiple_of3A, %dma_wait3A] : memref<10512x128xf32, #tpu.memory_space<vmem_shared>> -> memref<656x128xf32, #tpu.memory_space<vmem_shared>>
        %dma_wait3A_50 = arith.constant 0 : i32
        %dma_wait3A_51 = tpu.memref_slice %arg5[%multiple_of3A, %dma_wait3A_50] : memref<10512x128xf32, #tpu.memory_space<hbm>> -> memref<656x128xf32, #tpu.memory_space<hbm>>
        tpu.wait_dma2 semaphore(%run_scoped3A : memref<!tpu.dma_semaphore, #tpu.memory_space<semaphore_mem>>) src(%dma_wait3A_51 : memref<656x128xf32, #tpu.memory_space<hbm>>) dst(%dma_wait3A_49 : memref<656x128xf32, #tpu.memory_space<vmem_shared>>)
        tpu.yield
      }) : () -> ()
    } else {
    }
    %eq3A = arith.constant 15 : i32
    %eq3A_23 = arith.cmpi eq, %arg1, %eq3A : i32
    %convert_element_type3A_24 = arith.extui %eq3A_23 : i1 to i32
    %cond3A_25 = arith.constant 0 : i32
    %cond3A_26 = arith.cmpi ne, %convert_element_type3A_24, %cond3A_25 : i32
    scf.if %cond3A_26 {
      "tpu.region"() ({
        %run_scoped3A = tpu.sem_alloc : memref<!tpu.dma_semaphore, #tpu.memory_space<semaphore_mem>>
        %dma_start3A_43 = arith.constant 9840 : i32
        %dma_start3A_44 = arith.constant 0 : i32
        %dma_start3A_45 = tpu.memref_slice %arg7[%dma_start3A_43, %dma_start3A_44] : memref<10512x128xf32, #tpu.memory_space<vmem_shared>> -> memref<672x128xf32, #tpu.memory_space<vmem_shared>>
        %dma_start3A_46 = arith.constant 9840 : i32
        %dma_start3A_47 = arith.constant 0 : i32
        %dma_start3A_48 = tpu.memref_slice %arg5[%dma_start3A_46, %dma_start3A_47] : memref<10512x128xf32, #tpu.memory_space<hbm>> -> memref<672x128xf32, #tpu.memory_space<hbm>>
        tpu.enqueue_dma source(%dma_start3A_48 : memref<672x128xf32, #tpu.memory_space<hbm>>) target(%dma_start3A_45 : memref<672x128xf32, #tpu.memory_space<vmem_shared>>) target_semaphore(%run_scoped3A : memref<!tpu.dma_semaphore, #tpu.memory_space<semaphore_mem>>)
        %dma_wait3A = arith.constant 9840 : i32
        %dma_wait3A_49 = arith.constant 0 : i32
        %dma_wait3A_50 = tpu.memref_slice %arg7[%dma_wait3A, %dma_wait3A_49] : memref<10512x128xf32, #tpu.memory_space<vmem_shared>> -> memref<672x128xf32, #tpu.memory_space<vmem_shared>>
        %dma_wait3A_51 = arith.constant 9840 : i32
        %dma_wait3A_52 = arith.constant 0 : i32
        %dma_wait3A_53 = tpu.memref_slice %arg5[%dma_wait3A_51, %dma_wait3A_52] : memref<10512x128xf32, #tpu.memory_space<hbm>> -> memref<672x128xf32, #tpu.memory_space<hbm>>
        tpu.wait_dma2 semaphore(%run_scoped3A : memref<!tpu.dma_semaphore, #tpu.memory_space<semaphore_mem>>) src(%dma_wait3A_53 : memref<672x128xf32, #tpu.memory_space<hbm>>) dst(%dma_wait3A_50 : memref<672x128xf32, #tpu.memory_space<vmem_shared>>)
        tpu.yield
      }) : () -> ()
    } else {
    }
    %barrier3A = arith.constant 0 : index
    tpu.barrier barrier_id(%barrier3A)
    %scan3A = arith.constant 0 : i32
    %scan3A_27 = arith.constant 0 : i32
    %scan3A_28 = arith.constant 40 : i32
    %scan3A_29 = arith.addi %scan3A_27, %scan3A_28 : i32
    %scan3A_30 = arith.constant 1 : i32
    scf.for %scan3A_43 = %scan3A_27 to %scan3A_29 step %scan3A_30  : i32 {
      %mul3A_44 = arith.constant 2 : i32
      %mul3A_45 = arith.muli %mul3A_44, %scan3A_43 : i32
      %add3A_46 = arith.constant 1 : i32
      %add3A_47 = arith.addi %mul3A_45, %add3A_46 : i32
      %dma_start3A_48 = arith.constant 0 : i32
      %dma_start3A_49 = tpu.memref_slice %arg8[%add3A_47, %dma_start3A_48] : memref<80x128xi32, #tpu.memory_space<vmem>> -> memref<1x128xi32, #tpu.memory_space<vmem>>
      %dma_start3A_50 = tpu.memref_squeeze %dma_start3A_49 : memref<1x128xi32, #tpu.memory_space<vmem>> -> memref<128xi32, #tpu.memory_space<vmem>>
      %dma_start3A_51 = arith.constant 0 : i32
      %dma_start3A_52 = arith.constant 0 : i32
      %dma_start3A_53 = tpu.memref_slice %arg2[%dma_start3A_51, %dma_start3A_52] : memref<10512x128xf32, #tpu.memory_space<hbm>> -> memref<10512x128xf32, #tpu.memory_space<hbm>>
      tpu.enqueue_indirect_dma source(%dma_start3A_53 : memref<10512x128xf32, #tpu.memory_space<hbm>>) target(%arg12 : memref<128x128xf32, #tpu.memory_space<vmem>>) offsets(%dma_start3A_50 : memref<128xi32, #tpu.memory_space<vmem>>) semaphore(%arg14 : memref<!tpu.dma_semaphore, #tpu.memory_space<semaphore_mem>>)
      %mul3A_54 = arith.constant 128 : i32
      %mul3A_55 = arith.muli %mul3A_45, %mul3A_54 : i32
      %add3A_56 = arith.addi %mul3A_6, %mul3A_55 : i32
      %dma_wait3A = tpu.memref_slice %arg4[%add3A_56] : memref<327680xi32, #tpu.memory_space<hbm>> -> memref<128xi32, #tpu.memory_space<hbm>>
      %dma_wait3A_57 = tpu.memref_slice %arg4[%add3A_56] : memref<327680xi32, #tpu.memory_space<hbm>> -> memref<128xi32, #tpu.memory_space<hbm>>
      tpu.wait_dma2 semaphore(%arg15 : memref<!tpu.dma_semaphore, #tpu.memory_space<semaphore_mem>>) src(%dma_wait3A_57 : memref<128xi32, #tpu.memory_space<hbm>>) dst(%arg9 : memref<128xi32, #tpu.memory_space<vmem>>)
      %dma_wait3A_58 = arith.constant 0 : i32
      %dma_wait3A_59 = tpu.memref_slice %arg8[%mul3A_45, %dma_wait3A_58] : memref<80x128xi32, #tpu.memory_space<vmem>> -> memref<1x128xi32, #tpu.memory_space<vmem>>
      %dma_wait3A_60 = tpu.memref_squeeze %dma_wait3A_59 : memref<1x128xi32, #tpu.memory_space<vmem>> -> memref<128xi32, #tpu.memory_space<vmem>>
      %dma_wait3A_61 = arith.constant 0 : i32
      %dma_wait3A_62 = arith.constant 0 : i32
      %dma_wait3A_63 = tpu.memref_slice %arg2[%dma_wait3A_61, %dma_wait3A_62] : memref<10512x128xf32, #tpu.memory_space<hbm>> -> memref<10512x128xf32, #tpu.memory_space<hbm>>
      tpu.wait_indirect_dma semaphore(%arg13 : memref<!tpu.dma_semaphore, #tpu.memory_space<semaphore_mem>>) src(%dma_wait3A_63 : memref<10512x128xf32, #tpu.memory_space<hbm>>) dst(%arg11 : memref<128x128xf32, #tpu.memory_space<vmem>>)
      "tpu.region"() ({
        %run_scoped3A = tpu.sem_alloc : memref<!tpu.dma_semaphore, #tpu.memory_space<semaphore_mem>>
        %dma_start3A_96 = arith.constant 0 : i32
        %dma_start3A_97 = arith.constant 0 : i32
        %dma_start3A_98 = tpu.memref_slice %arg7[%dma_start3A_96, %dma_start3A_97] : memref<10512x128xf32, #tpu.memory_space<vmem_shared>> -> memref<10512x128xf32, #tpu.memory_space<vmem_shared>>
        tpu.enqueue_indirect_dma source(%arg11 : memref<128x128xf32, #tpu.memory_space<vmem>>) target(%dma_start3A_98 : memref<10512x128xf32, #tpu.memory_space<vmem_shared>>) offsets(%arg9 : memref<128xi32, #tpu.memory_space<vmem>>) semaphore(%run_scoped3A : memref<!tpu.dma_semaphore, #tpu.memory_space<semaphore_mem>>) {add = true}
        %dma_wait3A_99 = arith.constant 0 : i32
        %dma_wait3A_100 = arith.constant 0 : i32
        %dma_wait3A_101 = tpu.memref_slice %arg7[%dma_wait3A_99, %dma_wait3A_100] : memref<10512x128xf32, #tpu.memory_space<vmem_shared>> -> memref<10512x128xf32, #tpu.memory_space<vmem_shared>>
        tpu.wait_indirect_dma semaphore(%run_scoped3A : memref<!tpu.dma_semaphore, #tpu.memory_space<semaphore_mem>>) src(%arg11 : memref<128x128xf32, #tpu.memory_space<vmem>>) dst(%dma_wait3A_101 : memref<10512x128xf32, #tpu.memory_space<vmem_shared>>)
        tpu.yield
      }) : () -> ()
      %add3A_64 = arith.constant 2 : i32
      %add3A_65 = arith.addi %mul3A_45, %add3A_64 : i32
      %lt3A_66 = arith.constant 80 : i32
      %lt3A_67 = arith.cmpi slt, %add3A_65, %lt3A_66 : i32
      %convert_element_type3A_68 = arith.extui %lt3A_67 : i1 to i32
      %cond3A_69 = arith.constant 0 : i32
      %cond3A_70 = arith.cmpi ne, %convert_element_type3A_68, %cond3A_69 : i32
      scf.if %cond3A_70 {
        %add3A_96 = arith.constant 2 : i32
        %add3A_97 = arith.addi %mul3A_45, %add3A_96 : i32
        %mul3A_98 = arith.constant 128 : i32
        %mul3A_99 = arith.muli %add3A_97, %mul3A_98 : i32
        %add3A_100 = arith.addi %mul3A_6, %mul3A_99 : i32
        %dma_start3A_101 = tpu.memref_slice %arg4[%add3A_100] : memref<327680xi32, #tpu.memory_space<hbm>> -> memref<128xi32, #tpu.memory_space<hbm>>
        %dma_start3A_102 = tpu.memref_slice %arg4[%add3A_100] : memref<327680xi32, #tpu.memory_space<hbm>> -> memref<128xi32, #tpu.memory_space<hbm>>
        tpu.enqueue_dma source(%dma_start3A_102 : memref<128xi32, #tpu.memory_space<hbm>>) target(%arg9 : memref<128xi32, #tpu.memory_space<vmem>>) target_semaphore(%arg15 : memref<!tpu.dma_semaphore, #tpu.memory_space<semaphore_mem>>)
      } else {
      }
      %lt3A_71 = arith.constant 39 : i32
      %lt3A_72 = arith.cmpi slt, %scan3A_43, %lt3A_71 : i32
      %convert_element_type3A_73 = arith.extui %lt3A_72 : i1 to i32
      %cond3A_74 = arith.constant 0 : i32
      %cond3A_75 = arith.cmpi ne, %convert_element_type3A_73, %cond3A_74 : i32
      scf.if %cond3A_75 {
        %add3A_96 = arith.constant 2 : i32
        %add3A_97 = arith.addi %mul3A_45, %add3A_96 : i32
        %dma_start3A_98 = arith.constant 0 : i32
        %dma_start3A_99 = tpu.memref_slice %arg8[%add3A_97, %dma_start3A_98] : memref<80x128xi32, #tpu.memory_space<vmem>> -> memref<1x128xi32, #tpu.memory_space<vmem>>
        %dma_start3A_100 = tpu.memref_squeeze %dma_start3A_99 : memref<1x128xi32, #tpu.memory_space<vmem>> -> memref<128xi32, #tpu.memory_space<vmem>>
        %dma_start3A_101 = arith.constant 0 : i32
        %dma_start3A_102 = arith.constant 0 : i32
        %dma_start3A_103 = tpu.memref_slice %arg2[%dma_start3A_101, %dma_start3A_102] : memref<10512x128xf32, #tpu.memory_space<hbm>> -> memref<10512x128xf32, #tpu.memory_space<hbm>>
        tpu.enqueue_indirect_dma source(%dma_start3A_103 : memref<10512x128xf32, #tpu.memory_space<hbm>>) target(%arg11 : memref<128x128xf32, #tpu.memory_space<vmem>>) offsets(%dma_start3A_100 : memref<128xi32, #tpu.memory_space<vmem>>) semaphore(%arg13 : memref<!tpu.dma_semaphore, #tpu.memory_space<semaphore_mem>>)
      } else {
      }
      %add3A_76 = arith.constant 1 : i32
      %add3A_77 = arith.addi %mul3A_45, %add3A_76 : i32
      %mul3A_78 = arith.constant 128 : i32
      %mul3A_79 = arith.muli %add3A_77, %mul3A_78 : i32
      %add3A_80 = arith.addi %mul3A_6, %mul3A_79 : i32
      %dma_wait3A_81 = tpu.memref_slice %arg4[%add3A_80] : memref<327680xi32, #tpu.memory_space<hbm>> -> memref<128xi32, #tpu.memory_space<hbm>>
      %dma_wait3A_82 = tpu.memref_slice %arg4[%add3A_80] : memref<327680xi32, #tpu.memory_space<hbm>> -> memref<128xi32, #tpu.memory_space<hbm>>
      tpu.wait_dma2 semaphore(%arg16 : memref<!tpu.dma_semaphore, #tpu.memory_space<semaphore_mem>>) src(%dma_wait3A_82 : memref<128xi32, #tpu.memory_space<hbm>>) dst(%arg10 : memref<128xi32, #tpu.memory_space<vmem>>)
      %dma_wait3A_83 = arith.constant 0 : i32
      %dma_wait3A_84 = tpu.memref_slice %arg8[%add3A_77, %dma_wait3A_83] : memref<80x128xi32, #tpu.memory_space<vmem>> -> memref<1x128xi32, #tpu.memory_space<vmem>>
      %dma_wait3A_85 = tpu.memref_squeeze %dma_wait3A_84 : memref<1x128xi32, #tpu.memory_space<vmem>> -> memref<128xi32, #tpu.memory_space<vmem>>
      %dma_wait3A_86 = arith.constant 0 : i32
      %dma_wait3A_87 = arith.constant 0 : i32
      %dma_wait3A_88 = tpu.memref_slice %arg2[%dma_wait3A_86, %dma_wait3A_87] : memref<10512x128xf32, #tpu.memory_space<hbm>> -> memref<10512x128xf32, #tpu.memory_space<hbm>>
      tpu.wait_indirect_dma semaphore(%arg14 : memref<!tpu.dma_semaphore, #tpu.memory_space<semaphore_mem>>) src(%dma_wait3A_88 : memref<10512x128xf32, #tpu.memory_space<hbm>>) dst(%arg12 : memref<128x128xf32, #tpu.memory_space<vmem>>)
      "tpu.region"() ({
        %run_scoped3A = tpu.sem_alloc : memref<!tpu.dma_semaphore, #tpu.memory_space<semaphore_mem>>
        %dma_start3A_96 = arith.constant 0 : i32
        %dma_start3A_97 = arith.constant 0 : i32
        %dma_start3A_98 = tpu.memref_slice %arg7[%dma_start3A_96, %dma_start3A_97] : memref<10512x128xf32, #tpu.memory_space<vmem_shared>> -> memref<10512x128xf32, #tpu.memory_space<vmem_shared>>
        tpu.enqueue_indirect_dma source(%arg12 : memref<128x128xf32, #tpu.memory_space<vmem>>) target(%dma_start3A_98 : memref<10512x128xf32, #tpu.memory_space<vmem_shared>>) offsets(%arg10 : memref<128xi32, #tpu.memory_space<vmem>>) semaphore(%run_scoped3A : memref<!tpu.dma_semaphore, #tpu.memory_space<semaphore_mem>>) {add = true}
        %dma_wait3A_99 = arith.constant 0 : i32
        %dma_wait3A_100 = arith.constant 0 : i32
        %dma_wait3A_101 = tpu.memref_slice %arg7[%dma_wait3A_99, %dma_wait3A_100] : memref<10512x128xf32, #tpu.memory_space<vmem_shared>> -> memref<10512x128xf32, #tpu.memory_space<vmem_shared>>
        tpu.wait_indirect_dma semaphore(%run_scoped3A : memref<!tpu.dma_semaphore, #tpu.memory_space<semaphore_mem>>) src(%arg12 : memref<128x128xf32, #tpu.memory_space<vmem>>) dst(%dma_wait3A_101 : memref<10512x128xf32, #tpu.memory_space<vmem_shared>>)
        tpu.yield
      }) : () -> ()
      %add3A_89 = arith.constant 2 : i32
      %add3A_90 = arith.addi %add3A_77, %add3A_89 : i32
      %lt3A_91 = arith.constant 80 : i32
      %lt3A_92 = arith.cmpi slt, %add3A_90, %lt3A_91 : i32
      %convert_element_type3A_93 = arith.extui %lt3A_92 : i1 to i32
      %cond3A_94 = arith.constant 0 : i32
      %cond3A_95 = arith.cmpi ne, %convert_element_type3A_93, %cond3A_94 : i32
      scf.if %cond3A_95 {
        %add3A_96 = arith.constant 2 : i32
        %add3A_97 = arith.addi %add3A_77, %add3A_96 : i32
        %mul3A_98 = arith.constant 128 : i32
        %mul3A_99 = arith.muli %add3A_97, %mul3A_98 : i32
        %add3A_100 = arith.addi %mul3A_6, %mul3A_99 : i32
        %dma_start3A_101 = tpu.memref_slice %arg4[%add3A_100] : memref<327680xi32, #tpu.memory_space<hbm>> -> memref<128xi32, #tpu.memory_space<hbm>>
        %dma_start3A_102 = tpu.memref_slice %arg4[%add3A_100] : memref<327680xi32, #tpu.memory_space<hbm>> -> memref<128xi32, #tpu.memory_space<hbm>>
        tpu.enqueue_dma source(%dma_start3A_102 : memref<128xi32, #tpu.memory_space<hbm>>) target(%arg10 : memref<128xi32, #tpu.memory_space<vmem>>) target_semaphore(%arg16 : memref<!tpu.dma_semaphore, #tpu.memory_space<semaphore_mem>>)
      } else {
      }
    }
    %scan3A_31 = arith.constant 40 : i32
    %barrier3A_32 = arith.constant 0 : index
    tpu.barrier barrier_id(%barrier3A_32)
    %lt3A_33 = arith.constant 15 : i32
    %lt3A_34 = arith.cmpi slt, %arg1, %lt3A_33 : i32
    %convert_element_type3A_35 = arith.extui %lt3A_34 : i1 to i32
    %cond3A_36 = arith.constant 0 : i32
    %cond3A_37 = arith.cmpi ne, %convert_element_type3A_35, %cond3A_36 : i32
    scf.if %cond3A_37 {
      %mul3A_43 = arith.constant 656 : i32
      %mul3A_44 = arith.muli %arg1, %mul3A_43 : i32
      %multiple_of3A = tpu.assume_multiple %mul3A_44, 8 : i32
      %mul3A_45 = arith.constant 10512 : i32
      %mul3A_46 = arith.muli %arg0, %mul3A_45 : i32
      %add3A_47 = arith.addi %mul3A_46, %multiple_of3A : i32
      "tpu.region"() ({
        %run_scoped3A = tpu.sem_alloc : memref<!tpu.dma_semaphore, #tpu.memory_space<semaphore_mem>>
        %dma_start3A_48 = arith.constant 0 : i32
        %dma_start3A_49 = tpu.memref_slice %arg6[%add3A_47, %dma_start3A_48] : memref<21024x128xf32, #tpu.memory_space<hbm>> -> memref<656x128xf32, #tpu.memory_space<hbm>>
        %dma_start3A_50 = arith.constant 0 : i32
        %dma_start3A_51 = tpu.memref_slice %arg7[%multiple_of3A, %dma_start3A_50] : memref<10512x128xf32, #tpu.memory_space<vmem_shared>> -> memref<656x128xf32, #tpu.memory_space<vmem_shared>>
        tpu.enqueue_dma source(%dma_start3A_51 : memref<656x128xf32, #tpu.memory_space<vmem_shared>>) target(%dma_start3A_49 : memref<656x128xf32, #tpu.memory_space<hbm>>) target_semaphore(%run_scoped3A : memref<!tpu.dma_semaphore, #tpu.memory_space<semaphore_mem>>)
        %dma_wait3A = arith.constant 0 : i32
        %dma_wait3A_52 = tpu.memref_slice %arg6[%add3A_47, %dma_wait3A] : memref<21024x128xf32, #tpu.memory_space<hbm>> -> memref<656x128xf32, #tpu.memory_space<hbm>>
        %dma_wait3A_53 = arith.constant 0 : i32
        %dma_wait3A_54 = tpu.memref_slice %arg7[%multiple_of3A, %dma_wait3A_53] : memref<10512x128xf32, #tpu.memory_space<vmem_shared>> -> memref<656x128xf32, #tpu.memory_space<vmem_shared>>
        tpu.wait_dma2 semaphore(%run_scoped3A : memref<!tpu.dma_semaphore, #tpu.memory_space<semaphore_mem>>) src(%dma_wait3A_54 : memref<656x128xf32, #tpu.memory_space<vmem_shared>>) dst(%dma_wait3A_52 : memref<656x128xf32, #tpu.memory_space<hbm>>)
        tpu.yield
      }) : () -> ()
    } else {
    }
    %eq3A_38 = arith.constant 15 : i32
    %eq3A_39 = arith.cmpi eq, %arg1, %eq3A_38 : i32
    %convert_element_type3A_40 = arith.extui %eq3A_39 : i1 to i32
    %cond3A_41 = arith.constant 0 : i32
    %cond3A_42 = arith.cmpi ne, %convert_element_type3A_40, %cond3A_41 : i32
    scf.if %cond3A_42 {
      %mul3A_43 = arith.constant 10512 : i32
      %mul3A_44 = arith.muli %arg0, %mul3A_43 : i32
      %add3A_45 = arith.constant 9840 : i32
      %add3A_46 = arith.addi %mul3A_44, %add3A_45 : i32
      "tpu.region"() ({
        %run_scoped3A = tpu.sem_alloc : memref<!tpu.dma_semaphore, #tpu.memory_space<semaphore_mem>>
        %dma_start3A_47 = arith.constant 0 : i32
        %dma_start3A_48 = tpu.memref_slice %arg6[%add3A_46, %dma_start3A_47] : memref<21024x128xf32, #tpu.memory_space<hbm>> -> memref<672x128xf32, #tpu.memory_space<hbm>>
        %dma_start3A_49 = arith.constant 9840 : i32
        %dma_start3A_50 = arith.constant 0 : i32
        %dma_start3A_51 = tpu.memref_slice %arg7[%dma_start3A_49, %dma_start3A_50] : memref<10512x128xf32, #tpu.memory_space<vmem_shared>> -> memref<672x128xf32, #tpu.memory_space<vmem_shared>>
        tpu.enqueue_dma source(%dma_start3A_51 : memref<672x128xf32, #tpu.memory_space<vmem_shared>>) target(%dma_start3A_48 : memref<672x128xf32, #tpu.memory_space<hbm>>) target_semaphore(%run_scoped3A : memref<!tpu.dma_semaphore, #tpu.memory_space<semaphore_mem>>)
        %dma_wait3A = arith.constant 0 : i32
        %dma_wait3A_52 = tpu.memref_slice %arg6[%add3A_46, %dma_wait3A] : memref<21024x128xf32, #tpu.memory_space<hbm>> -> memref<672x128xf32, #tpu.memory_space<hbm>>
        %dma_wait3A_53 = arith.constant 9840 : i32
        %dma_wait3A_54 = arith.constant 0 : i32
        %dma_wait3A_55 = tpu.memref_slice %arg7[%dma_wait3A_53, %dma_wait3A_54] : memref<10512x128xf32, #tpu.memory_space<vmem_shared>> -> memref<672x128xf32, #tpu.memory_space<vmem_shared>>
        tpu.wait_dma2 semaphore(%run_scoped3A : memref<!tpu.dma_semaphore, #tpu.memory_space<semaphore_mem>>) src(%dma_wait3A_55 : memref<672x128xf32, #tpu.memory_space<vmem_shared>>) dst(%dma_wait3A_52 : memref<672x128xf32, #tpu.memory_space<hbm>>)
        tpu.yield
      }) : () -> ()
    } else {
    }
    return
  }
}

module attributes {stable_mosaic.version = 14 : i64} {
  func.func @body(%arg0: i32, %arg1: memref<1x4x2000xf32, #tpu.memory_space<vmem>>, %arg2: memref<2000x128xf32, #tpu.memory_space<vmem>>, %arg3: memref<128x128xf32, #tpu.memory_space<vmem>>, %arg4: memref<2000x128xf32, #tpu.memory_space<vmem>>) attributes {dimension_semantics = [#tpu.dimension_semantics<arbitrary>], iteration_bounds = array<i64: 5>, scalar_prefetch = 0 : i64, scratch_operands = 0 : i64, tpu.core_type = #tpu.core_type<tc>, window_params = [{transform_indices = @transform_0, window_bounds = array<i64: 1, 4, 2000>}, {transform_indices = @transform_1, window_bounds = array<i64: 2000, 128>}, {pipeline_mode = #tpu.pipeline_mode<synchronous>, transform_indices = @transform_2, window_bounds = array<i64: 128, 128>}, {transform_indices = @transform_3, window_bounds = array<i64: 2000, 128>}]} {
    %get3A = arith.constant 0 : index
    %get3A_0 = arith.constant 0 : index
    %get3A_1 = arith.constant 0 : index
    %get3A_2 = vector.load %arg1[%get3A, %get3A_0, %get3A_1] : memref<1x4x2000xf32, #tpu.memory_space<vmem>>, vector<1x4x2000xf32>
    %get3A_3 = vector.shape_cast %get3A_2 : vector<1x4x2000xf32> to vector<4x2000xf32>
    %slice3A = vector.extract_strided_slice %get3A_3 {offsets = [0, 0], sizes = [1, 2000], strides = [1, 1]} : vector<4x2000xf32> to vector<1x2000xf32>
    %squeeze3A = vector.shape_cast %slice3A : vector<1x2000xf32> to vector<2000xf32>
    %slice3A_4 = vector.extract_strided_slice %get3A_3 {offsets = [1, 0], sizes = [1, 2000], strides = [1, 1]} : vector<4x2000xf32> to vector<1x2000xf32>
    %squeeze3A_5 = vector.shape_cast %slice3A_4 : vector<1x2000xf32> to vector<2000xf32>
    %add3A = arith.addf %squeeze3A, %squeeze3A_5 : vector<2000xf32>
    %jit3A = arith.constant 1.000000e+00 : f32
    %max3A = vector.broadcast %jit3A : f32 to vector<2000xf32>
    %max3A_6 = arith.maximumf %max3A, %add3A : vector<2000xf32>
    %rsqrt3A = math.rsqrt %max3A_6 : vector<2000xf32>
    %get3A_7 = arith.constant 0 : index
    %get3A_8 = arith.constant 0 : index
    %get3A_9 = vector.load %arg2[%get3A_7, %get3A_8] : memref<2000x128xf32, #tpu.memory_space<vmem>>, vector<2000x128xf32>
    %get3A_10 = arith.constant 0 : index
    %get3A_11 = arith.constant 0 : index
    %get3A_12 = vector.load %arg3[%get3A_10, %get3A_11] : memref<128x128xf32, #tpu.memory_space<vmem>>, vector<128x128xf32>
    %dot_general3A = arith.constant dense<0.000000e+00> : vector<2000x128xf32>
    %dot_general3A_13 = tpu.matmul %get3A_9, %get3A_12, %dot_general3A {dimension_numbers = #tpu.dot_dimension_numbers<[1], [0], [0], [1], [0, 0, 1, 1], [], []>, transpose_lhs_hint = false} : vector<2000x128xf32>, vector<128x128xf32>, vector<2000x128xf32> -> vector<2000x128xf32>
    %broadcast_in_dim3A = vector.shape_cast %rsqrt3A : vector<2000xf32> to vector<2000x1xf32>
    %mul3A = vector.broadcast %broadcast_in_dim3A : vector<2000x1xf32> to vector<2000x128xf32>
    %mul3A_14 = arith.mulf %dot_general3A_13, %mul3A : vector<2000x128xf32>
    %swap3A = arith.constant 0 : index
    %swap3A_15 = arith.constant 0 : index
    %swap3A_16 = vector.load %arg4[%swap3A, %swap3A_15] : memref<2000x128xf32, #tpu.memory_space<vmem>>, vector<2000x128xf32>
    tpu.vector_store %arg4[%swap3A, %swap3A_15], %mul3A_14 {strides = array<i32>} : memref<2000x128xf32, #tpu.memory_space<vmem>>, vector<2000x128xf32>,
    return
  }
  func.func @transform_0(%arg0: i32) -> (i32, i32, i32) {
    %c0_i32 = arith.constant 0 : i32
    %c0_i32_0 = arith.constant 0 : i32
    %c0_i32_1 = arith.constant 0 : i32
    return %arg0, %c0_i32, %c0_i32_0 : i32, i32, i32
  }
  func.func @transform_1(%arg0: i32) -> (i32, i32) {
    %c0_i32 = arith.constant 0 : i32
    %c0_i32_0 = arith.constant 0 : i32
    return %arg0, %c0_i32 : i32, i32
  }
  func.func @transform_2(%arg0: i32) -> (i32, i32) {
    %c0_i32 = arith.constant 0 : i32
    %c0_i32_0 = arith.constant 0 : i32
    %c0_i32_1 = arith.constant 0 : i32
    return %c0_i32, %c0_i32_0 : i32, i32
  }
  func.func @transform_3(%arg0: i32) -> (i32, i32) {
    %c0_i32 = arith.constant 0 : i32
    %c0_i32_0 = arith.constant 0 : i32
    return %arg0, %c0_i32 : i32, i32
  }
}

module attributes {stable_mosaic.version = 14 : i64} {
  func.func @body(%arg0: i32, %arg1: memref<2x2000x128xf32, #tpu.memory_space<vmem>>, %arg2: memref<1x4x2000xf32, #tpu.memory_space<vmem>>, %arg3: memref<128x128xf32, #tpu.memory_space<vmem>>, %arg4: memref<1x128xf32, #tpu.memory_space<vmem>>, %arg5: memref<2000x128xf32, #tpu.memory_space<vmem>>) attributes {dimension_semantics = [#tpu.dimension_semantics<arbitrary>], iteration_bounds = array<i64: 5>, scalar_prefetch = 0 : i64, scratch_operands = 0 : i64, tpu.core_type = #tpu.core_type<tc>, window_params = [{transform_indices = @transform_0, window_bounds = array<i64: 2, 2000, 128>}, {transform_indices = @transform_1, window_bounds = array<i64: 1, 4, 2000>}, {pipeline_mode = #tpu.pipeline_mode<synchronous>, transform_indices = @transform_2, window_bounds = array<i64: 128, 128>}, {pipeline_mode = #tpu.pipeline_mode<synchronous>, transform_indices = @transform_3, window_bounds = array<i64: 1, 128>}, {transform_indices = @transform_4, window_bounds = array<i64: 2000, 128>}]} {
    %get3A = arith.constant 0 : index
    %get3A_0 = arith.constant 0 : index
    %get3A_1 = arith.constant 0 : index
    %get3A_2 = vector.load %arg2[%get3A, %get3A_0, %get3A_1] : memref<1x4x2000xf32, #tpu.memory_space<vmem>>, vector<1x4x2000xf32>
    %get3A_3 = vector.shape_cast %get3A_2 : vector<1x4x2000xf32> to vector<4x2000xf32>
    %slice3A = vector.extract_strided_slice %get3A_3 {offsets = [0, 0], sizes = [1, 2000], strides = [1, 1]} : vector<4x2000xf32> to vector<1x2000xf32>
    %squeeze3A = vector.shape_cast %slice3A : vector<1x2000xf32> to vector<2000xf32>
    %slice3A_4 = vector.extract_strided_slice %get3A_3 {offsets = [1, 0], sizes = [1, 2000], strides = [1, 1]} : vector<4x2000xf32> to vector<1x2000xf32>
    %squeeze3A_5 = vector.shape_cast %slice3A_4 : vector<1x2000xf32> to vector<2000xf32>
    %add3A = arith.addf %squeeze3A, %squeeze3A_5 : vector<2000xf32>
    %jit3A = arith.constant 1.000000e+00 : f32
    %max3A = vector.broadcast %jit3A : f32 to vector<2000xf32>
    %max3A_6 = arith.maximumf %max3A, %add3A : vector<2000xf32>
    %rsqrt3A = math.rsqrt %max3A_6 : vector<2000xf32>
    %slice3A_7 = vector.extract_strided_slice %get3A_3 {offsets = [2, 0], sizes = [1, 2000], strides = [1, 1]} : vector<4x2000xf32> to vector<1x2000xf32>
    %squeeze3A_8 = vector.shape_cast %slice3A_7 : vector<1x2000xf32> to vector<2000xf32>
    %slice3A_9 = vector.extract_strided_slice %get3A_3 {offsets = [3, 0], sizes = [1, 2000], strides = [1, 1]} : vector<4x2000xf32> to vector<1x2000xf32>
    %squeeze3A_10 = vector.shape_cast %slice3A_9 : vector<1x2000xf32> to vector<2000xf32>
    %add3A_11 = arith.addf %squeeze3A_8, %squeeze3A_10 : vector<2000xf32>
    %jit3A_12 = arith.constant 1.000000e+00 : f32
    %max3A_13 = vector.broadcast %jit3A_12 : f32 to vector<2000xf32>
    %max3A_14 = arith.maximumf %max3A_13, %add3A_11 : vector<2000xf32>
    %rsqrt3A_15 = math.rsqrt %max3A_14 : vector<2000xf32>
    %get3A_16 = arith.constant 0 : index
    %get3A_17 = arith.constant 0 : index
    %get3A_18 = arith.constant 0 : index
    %get3A_19 = vector.load %arg1[%get3A_16, %get3A_17, %get3A_18] : memref<2x2000x128xf32, #tpu.memory_space<vmem>>, vector<1x2000x128xf32>
    %get3A_20 = vector.shape_cast %get3A_19 : vector<1x2000x128xf32> to vector<2000x128xf32>
    %get3A_21 = arith.constant 1 : index
    %get3A_22 = arith.constant 0 : index
    %get3A_23 = arith.constant 0 : index
    %get3A_24 = vector.load %arg1[%get3A_21, %get3A_22, %get3A_23] : memref<2x2000x128xf32, #tpu.memory_space<vmem>>, vector<1x2000x128xf32>
    %get3A_25 = vector.shape_cast %get3A_24 : vector<1x2000x128xf32> to vector<2000x128xf32>
    %add3A_26 = arith.addf %get3A_20, %get3A_25 : vector<2000x128xf32>
    %broadcast_in_dim3A = vector.shape_cast %rsqrt3A_15 : vector<2000xf32> to vector<2000x1xf32>
    %mul3A = vector.broadcast %broadcast_in_dim3A : vector<2000x1xf32> to vector<2000x128xf32>
    %mul3A_27 = arith.mulf %add3A_26, %mul3A : vector<2000x128xf32>
    %get3A_28 = arith.constant 0 : index
    %get3A_29 = arith.constant 0 : index
    %get3A_30 = vector.load %arg4[%get3A_28, %get3A_29] : memref<1x128xf32, #tpu.memory_space<vmem>>, vector<1x128xf32>
    %add3A_31 = vector.broadcast %get3A_30 : vector<1x128xf32> to vector<2000x128xf32>
    %add3A_32 = arith.addf %mul3A_27, %add3A_31 : vector<2000x128xf32>
    %max3A_33 = arith.constant 0.000000e+00 : f32
    %max3A_34 = vector.broadcast %max3A_33 : f32 to vector<2000x128xf32>
    %max3A_35 = arith.maximumf %add3A_32, %max3A_34 : vector<2000x128xf32>
    %get3A_36 = arith.constant 0 : index
    %get3A_37 = arith.constant 0 : index
    %get3A_38 = vector.load %arg3[%get3A_36, %get3A_37] : memref<128x128xf32, #tpu.memory_space<vmem>>, vector<128x128xf32>
    %dot_general3A = arith.constant dense<0.000000e+00> : vector<2000x128xf32>
    %dot_general3A_39 = tpu.matmul %max3A_35, %get3A_38, %dot_general3A {dimension_numbers = #tpu.dot_dimension_numbers<[1], [0], [0], [1], [0, 0, 1, 1], [], []>, transpose_lhs_hint = false} : vector<2000x128xf32>, vector<128x128xf32>, vector<2000x128xf32> -> vector<2000x128xf32>
    %broadcast_in_dim3A_40 = vector.shape_cast %rsqrt3A : vector<2000xf32> to vector<2000x1xf32>
    %mul3A_41 = vector.broadcast %broadcast_in_dim3A_40 : vector<2000x1xf32> to vector<2000x128xf32>
    %mul3A_42 = arith.mulf %dot_general3A_39, %mul3A_41 : vector<2000x128xf32>
    %swap3A = arith.constant 0 : index
    %swap3A_43 = arith.constant 0 : index
    %swap3A_44 = vector.load %arg5[%swap3A, %swap3A_43] : memref<2000x128xf32, #tpu.memory_space<vmem>>, vector<2000x128xf32>
    tpu.vector_store %arg5[%swap3A, %swap3A_43], %mul3A_42 {strides = array<i32>} : memref<2000x128xf32, #tpu.memory_space<vmem>>, vector<2000x128xf32>,
    return
  }
  func.func @transform_0(%arg0: i32) -> (i32, i32, i32) {
    %c0_i32 = arith.constant 0 : i32
    %c0_i32_0 = arith.constant 0 : i32
    %c0_i32_1 = arith.constant 0 : i32
    return %c0_i32, %arg0, %c0_i32_0 : i32, i32, i32
  }
  func.func @transform_1(%arg0: i32) -> (i32, i32, i32) {
    %c0_i32 = arith.constant 0 : i32
    %c0_i32_0 = arith.constant 0 : i32
    %c0_i32_1 = arith.constant 0 : i32
    return %arg0, %c0_i32, %c0_i32_0 : i32, i32, i32
  }
  func.func @transform_2(%arg0: i32) -> (i32, i32) {
    %c0_i32 = arith.constant 0 : i32
    %c0_i32_0 = arith.constant 0 : i32
    %c0_i32_1 = arith.constant 0 : i32
    return %c0_i32, %c0_i32_0 : i32, i32
  }
  func.func @transform_3(%arg0: i32) -> (i32, i32) {
    %c0_i32 = arith.constant 0 : i32
    %c0_i32_0 = arith.constant 0 : i32
    %c0_i32_1 = arith.constant 0 : i32
    return %c0_i32, %c0_i32_0 : i32, i32
  }
  func.func @transform_4(%arg0: i32) -> (i32, i32) {
    %c0_i32 = arith.constant 0 : i32
    %c0_i32_0 = arith.constant 0 : i32
    return %arg0, %c0_i32 : i32, i32
  }
}

module attributes {stable_mosaic.version = 14 : i64} {
  func.func @body(%arg0: i32, %arg1: memref<2x2000x128xf32, #tpu.memory_space<vmem>>, %arg2: memref<1x4x2000xf32, #tpu.memory_space<vmem>>, %arg3: memref<1x128xf32, #tpu.memory_space<vmem>>, %arg4: memref<2000x128xf32, #tpu.memory_space<vmem>>) attributes {dimension_semantics = [#tpu.dimension_semantics<arbitrary>], iteration_bounds = array<i64: 5>, scalar_prefetch = 0 : i64, scratch_operands = 0 : i64, tpu.core_type = #tpu.core_type<tc>, window_params = [{transform_indices = @transform_0, window_bounds = array<i64: 2, 2000, 128>}, {transform_indices = @transform_1, window_bounds = array<i64: 1, 4, 2000>}, {pipeline_mode = #tpu.pipeline_mode<synchronous>, transform_indices = @transform_2, window_bounds = array<i64: 1, 128>}, {transform_indices = @transform_3, window_bounds = array<i64: 2000, 128>}]} {
    %get3A = arith.constant 0 : index
    %get3A_0 = arith.constant 0 : index
    %get3A_1 = arith.constant 0 : index
    %get3A_2 = vector.load %arg2[%get3A, %get3A_0, %get3A_1] : memref<1x4x2000xf32, #tpu.memory_space<vmem>>, vector<1x4x2000xf32>
    %get3A_3 = vector.shape_cast %get3A_2 : vector<1x4x2000xf32> to vector<4x2000xf32>
    %slice3A = vector.extract_strided_slice %get3A_3 {offsets = [2, 0], sizes = [1, 2000], strides = [1, 1]} : vector<4x2000xf32> to vector<1x2000xf32>
    %squeeze3A = vector.shape_cast %slice3A : vector<1x2000xf32> to vector<2000xf32>
    %slice3A_4 = vector.extract_strided_slice %get3A_3 {offsets = [3, 0], sizes = [1, 2000], strides = [1, 1]} : vector<4x2000xf32> to vector<1x2000xf32>
    %squeeze3A_5 = vector.shape_cast %slice3A_4 : vector<1x2000xf32> to vector<2000xf32>
    %add3A = arith.addf %squeeze3A, %squeeze3A_5 : vector<2000xf32>
    %jit3A = arith.constant 1.000000e+00 : f32
    %max3A = vector.broadcast %jit3A : f32 to vector<2000xf32>
    %max3A_6 = arith.maximumf %max3A, %add3A : vector<2000xf32>
    %rsqrt3A = math.rsqrt %max3A_6 : vector<2000xf32>
    %get3A_7 = arith.constant 0 : index
    %get3A_8 = arith.constant 0 : index
    %get3A_9 = arith.constant 0 : index
    %get3A_10 = vector.load %arg1[%get3A_7, %get3A_8, %get3A_9] : memref<2x2000x128xf32, #tpu.memory_space<vmem>>, vector<1x2000x128xf32>
    %get3A_11 = vector.shape_cast %get3A_10 : vector<1x2000x128xf32> to vector<2000x128xf32>
    %get3A_12 = arith.constant 1 : index
    %get3A_13 = arith.constant 0 : index
    %get3A_14 = arith.constant 0 : index
    %get3A_15 = vector.load %arg1[%get3A_12, %get3A_13, %get3A_14] : memref<2x2000x128xf32, #tpu.memory_space<vmem>>, vector<1x2000x128xf32>
    %get3A_16 = vector.shape_cast %get3A_15 : vector<1x2000x128xf32> to vector<2000x128xf32>
    %add3A_17 = arith.addf %get3A_11, %get3A_16 : vector<2000x128xf32>
    %broadcast_in_dim3A = vector.shape_cast %rsqrt3A : vector<2000xf32> to vector<2000x1xf32>
    %mul3A = vector.broadcast %broadcast_in_dim3A : vector<2000x1xf32> to vector<2000x128xf32>
    %mul3A_18 = arith.mulf %add3A_17, %mul3A : vector<2000x128xf32>
    %get3A_19 = arith.constant 0 : index
    %get3A_20 = arith.constant 0 : index
    %get3A_21 = vector.load %arg3[%get3A_19, %get3A_20] : memref<1x128xf32, #tpu.memory_space<vmem>>, vector<1x128xf32>
    %add3A_22 = vector.broadcast %get3A_21 : vector<1x128xf32> to vector<2000x128xf32>
    %add3A_23 = arith.addf %mul3A_18, %add3A_22 : vector<2000x128xf32>
    %swap3A = arith.constant 0 : index
    %swap3A_24 = arith.constant 0 : index
    %swap3A_25 = vector.load %arg4[%swap3A, %swap3A_24] : memref<2000x128xf32, #tpu.memory_space<vmem>>, vector<2000x128xf32>
    tpu.vector_store %arg4[%swap3A, %swap3A_24], %add3A_23 {strides = array<i32>} : memref<2000x128xf32, #tpu.memory_space<vmem>>, vector<2000x128xf32>,
    return
  }
  func.func @transform_0(%arg0: i32) -> (i32, i32, i32) {
    %c0_i32 = arith.constant 0 : i32
    %c0_i32_0 = arith.constant 0 : i32
    %c0_i32_1 = arith.constant 0 : i32
    return %c0_i32, %arg0, %c0_i32_0 : i32, i32, i32
  }
  func.func @transform_1(%arg0: i32) -> (i32, i32, i32) {
    %c0_i32 = arith.constant 0 : i32
    %c0_i32_0 = arith.constant 0 : i32
    %c0_i32_1 = arith.constant 0 : i32
    return %arg0, %c0_i32, %c0_i32_0 : i32, i32, i32
  }
  func.func @transform_2(%arg0: i32) -> (i32, i32) {
    %c0_i32 = arith.constant 0 : i32
    %c0_i32_0 = arith.constant 0 : i32
    %c0_i32_1 = arith.constant 0 : i32
    return %c0_i32, %c0_i32_0 : i32, i32
  }
  func.func @transform_3(%arg0: i32) -> (i32, i32) {
    %c0_i32 = arith.constant 0 : i32
    %c0_i32_0 = arith.constant 0 : i32
    return %arg0, %c0_i32 : i32, i32
  }
}

</mosaic_0001>

<sc_bundles>
// kernel: kernel.11.cloned.1.call-start
scs
__scs_entry_jumppad:
0x0: {  	(pc) =	sbr.rel $0x88, $3  }
0x1: {  	(tag) =	ssettag $0x0;
	lr =	simm.s32 $0x1  }
0x2: {  	[smem:$0x3F9B] =	sst lr;
	_ =	strace $0xD0000000  }
0x3: {  	_ = 	snop  }
0x4: {  	_ = 	snop  }
0x5: {  	_ = 	snop  }
0x6: {  	_ = 	snop  }
0x7: {  	_ = 	snop  }
__scs_overlays_trampoline_lowered:
0x8: {  	[smem:$0x3FAA] =	sst s0  }
0x9: {  	[smem:$0x3FAB] =	sst s1  }
0xa: {  	[smem:$0x3FAC] =	sst s2  }
0xb: {  	[smem:$0x3FAD] =	sst s3  }
0xc: {  	[smem:$0x3FAE] =	sst s4  }
0xd: {  	[smem:$0x3FAF] =	sst s5  }
0xe: {  	[smem:$0x3FB0] =	sst s6  }
0xf: {  	[smem:$0x3FB1] =	sst s7  }
0x10: {  	[smem:$0x3FB2] =	sst s8  }
0x11: {  	[smem:$0x3FB3] =	sst s9;
	s0 =	simm.s32 @!p0 $0x0  }
0x12: {  	s1 =	sld [smem:$0x3F99];
	s0 =	simm.s32 @p0 $0x1  }
0x13: {  	[smem:$0x3FB4] =	sst s0;
	s0 =	simm.s32 @!p1 $0x0  }
0x14: {  	s2 =	sld [smem:$0x3F98];
	s0 =	simm.s32 @p1 $0x1  }
0x15: {  	[smem:$0x3FB5] =	sst s0;
	s0 =	simm.s32 @!p2 $0x0  }
0x16: {  	s3 =	sld [smem:$0x3FDB];
	s0 =	simm.s32 @p2 $0x1  }
0x17: {  	s4 =	simm.s32 $0x1BF5;
	[smem:$0x3FB7] =	sst s0  }
0x18: {  	s0 =	sld [smem:$0x3F9A];
	_ =	swait.ge [sflag:s4], $0x0  }
0x19: {  	s7 =	sld [smem:$0x3F9B]  }
0x1a: {  	s8 =	sadd.s32 $0xFFFFE003, lr  }
0x1b: {  	s9 =	sadd.s32 $0xFFFFFEF7, lr;
	s5 =	simm.s32 $0xFFFFFFFF;
	p2 =	slt.u32 s8, $0xFFFFF086  }
0x1c: {  	p1 =	slt.u32 s9, $0xF7A;
	s5 =	simm.s32 @!p2 $0x0  }
0x1d: {  	s5 =	simm.s32 @p1 $0x1;
	p0 =	seq.s32 s7, s2  }
0x1e: {  	s7 =	smul.u32 @!p0 $0xF7A, s2;
	p2 =	seq.s32 @!p0 s5, $0x0  }
0x1f: {  	s9 =	smul.u32 $0xF7A, s1;
	s8 =	simm.s32 @!p0 $0x1BF5;
	p2 =	por !p2, p0  }
0x20: {  	[sflag:s8] =	ssyncset.s32 @!p0 $0xFFFFF086;
	s6 =	sadd.s32 @!p0 s3, s7;
	s7 =	simm.s32 @!p0 $0x108  }
0x21: {  	s3 =	sadd.s32 s3, s9;
	s6 =	sadd.s32 @!p0 $0x88, s6;
	s7 =	simm.s32 @p2 $0x1082  }
0x22: {  	[simem:s7], [sflag:s8] =	dma.local @!p0 [hbm:s6], $0xF7A  }
0x23: {  	s9 =	sor.u32 $0xD0000000, s2;
	s6 =	simm.s32 $0x108;
	_ =	swait.ge @!p0 [sflag:s8], $0x0  }
0x24: {  	s3 =	sadd.s32 $0x88, s3;
	s6 =	simm.s32 @!p1 $0x1082;
	[sflag:s4] =	ssyncset.s32 $0xFFFFF086  }
0x25: {  	[simem:s6], [sflag:s4] =	dma.local [hbm:s3], $0xF7A  }
0x26: {  	[smem:$0x3F9B] =	sst s1;
	(tag) =	ssettag s2;
	_ =	strace s9  }
0x27: {  	s1 =	sld [smem:$0x3FAB]  }
0x28: {  	s2 =	sld [smem:$0x3FAC]  }
0x29: {  	s4 =	sld [smem:$0x3FAE]  }
0x2a: {  	p0 =	seq.s32 s5, $0x0;
	s5 =	sld [smem:$0x3FAF]  }
0x2b: {  	s6 =	sld [smem:$0x3FB0]  }
0x2c: {  	s7 =	sld [smem:$0x3FB1]  }
0x2d: {  	s3 =	simm.s32 $0x108;
	s8 =	sld [smem:$0x3FB2]  }
0x2e: {  	s3 =	simm.s32 @!p0 $0x1082;
	s9 =	sld [smem:$0x3FB3]  }
0x2f: {  	lr =	sadd.s32 s0, s3;
	s0 =	sld [smem:$0x3FAA]  }
0x30: {  	s3 =	sld [smem:$0x3FAD]  }
0x31: {  	[smem:$0x3FB6] =	sst s10  }
0x32: {  	s10 =	sld [smem:$0x3FB4];
	_ =	sdelay $0x3  }
0x33: {  	p0 =	seq.s32 s10, $0x1;
	s10 =	sld [smem:$0x3FB6];
	_ =	sdelay $0x3  }
0x34: {  	[smem:$0x3FB6] =	sst s10  }
0x35: {  	s10 =	sld [smem:$0x3FB5];
	_ =	sdelay $0x3  }
0x36: {  	p1 =	seq.s32 s10, $0x1;
	s10 =	sld [smem:$0x3FB6];
	_ =	sdelay $0x3  }
0x37: {  	[smem:$0x3FB6] =	sst s10  }
0x38: {  	s10 =	sld [smem:$0x3FB7]  }
0x39: {  	_ = 	snop;
	(pc) =	sbr.ind lr, $3  }
0x3a: {  	_ = 	snop  }
0x3b: {  	_ = 	snop  }
0x3c: {  	p2 =	seq.s32 s10, $0x1;
	s10 =	sld [smem:$0x3FB6]  }
0x3d: {  	_ =	shalt  }
0x3e: {  	_ =	shalt  }
0x3f: {  	_ =	shalt  }
0x40: {  	_ =	shalt  }
0x41: {  	_ =	shalt  }
0x42: {  	_ =	shalt  }
0x43: {  	_ =	shalt  }
0x44: {  	_ =	shalt  }
0x45: {  	_ =	shalt  }
0x46: {  	_ =	shalt  }
0x47: {  	_ =	shalt  }
0x48: {  	_ =	shalt  }
0x49: {  	_ =	shalt  }
0x4a: {  	_ =	shalt  }
0x4b: {  	_ =	shalt  }
0x4c: {  	_ =	shalt  }
0x4d: {  	_ =	shalt  }
0x4e: {  	_ =	shalt  }
0x4f: {  	_ =	shalt  }
0x50: {  	_ =	shalt  }
0x51: {  	_ =	shalt  }
0x52: {  	_ =	shalt  }
0x53: {  	_ =	shalt  }
0x54: {  	_ =	shalt  }
0x55: {  	_ =	shalt  }
0x56: {  	_ =	shalt  }
0x57: {  	_ =	shalt  }
0x58: {  	_ =	shalt  }
0x59: {  	_ =	shalt  }
0x5a: {  	_ =	shalt  }
0x5b: {  	_ =	shalt  }
0x5c: {  	_ =	shalt  }
0x5d: {  	_ =	shalt  }
0x5e: {  	_ =	shalt  }
0x5f: {  	_ =	shalt  }
0x60: {  	_ =	shalt  }
0x61: {  	_ =	shalt  }
0x62: {  	_ =	shalt  }
0x63: {  	_ =	shalt  }
0x64: {  	_ =	shalt  }
0x65: {  	_ =	shalt  }
0x66: {  	_ =	shalt  }
0x67: {  	_ =	shalt  }
0x68: {  	_ =	shalt  }
0x69: {  	_ =	shalt  }
0x6a: {  	_ =	shalt  }
0x6b: {  	_ =	shalt  }
0x6c: {  	_ =	shalt  }
0x6d: {  	_ =	shalt  }
0x6e: {  	_ =	shalt  }
0x6f: {  	_ =	shalt  }
0x70: {  	_ =	shalt  }
0x71: {  	_ =	shalt  }
0x72: {  	_ =	shalt  }
0x73: {  	_ =	shalt  }
0x74: {  	_ =	shalt  }
0x75: {  	_ =	shalt  }
0x76: {  	_ =	shalt  }
0x77: {  	_ =	shalt  }
0x78: {  	_ =	shalt  }
0x79: {  	_ =	shalt  }
0x7a: {  	_ =	shalt  }
0x7b: {  	_ =	shalt  }
0x7c: {  	_ =	shalt  }
0x7d: {  	_ =	shalt  }
0x7e: {  	_ =	shalt  }
0x7f: {  	_ =	shalt  }
0x80: {  	_ =	shalt  }
0x81: {  	_ =	shalt  }
0x82: {  	_ =	shalt  }
0x83: {  	_ =	shalt  }
0x84: {  	_ =	shalt  }
0x85: {  	_ =	shalt  }
0x86: {  	_ =	shalt  }
0x87: {  	_ =	shalt  }
.Lfunc_end0:
.L_simem_size_0:
called_computation.1_lowered:
.L_overlay_start_0:
0x88: {  	s2 =	sld [smem:$0x3FD9]  }
0x89: {  	s3 =	sld [smem:$0x3FFE];
	_ =	sdelay $0x1  }
0x8a: {  	s1 =	srdreg.scid  }
0x8b: {  	s0 =	sand.u32 $0x1, s1  }
0x8c: {  	s16 =	sshll.u32 s0, $0xA;
	s2 =	sadd.s32 s3, s2  }
0x8d: {  	s2 =	sadd.s32 s2, s16  }
0x8e: {  	[smem:$0x3FC2] =	sst s2  }
0x8f: {  	_ = 	snop  }
0x90: {  	(tm) =	ssettm $0x1  }
0x91: {  	s17 =	sld [smem:$0x3FFB];
	_ =	sdelay $0x3  }
0x92: {  	_ =	strace s17  }
0x93: {  	s2 =	sld [smem:$0x3FFC];
	_ =	sdelay $0x3  }
0x94: {  	_ =	strace s2  }
0x95: {  	s2 =	sld [smem:$0x3FFD];
	_ =	sdelay $0x3  }
0x96: {  	_ =	strace s2  }
0x97: {  	_ =	strace $0x8FFFFFFF  }
0x98: {  	s18 =	sld [smem:$0x3FDB];
	_ =	sdelay $0x1  }
0x99: {  	s19 =	simm.s32 $_scs_section_size  }
0x9a: {  	s4 =	simm.s32 $_size__tile_overlayer_lowered;
	s5 =	simm.s32 $_tile_overlayer_lowered  }
0x9b: {  	s22 =	simm.s32 $0x1BFF;
	s21 =	sshll.u32 s5, $0x1;
	s2 =	sadd.s32 s19, s18  }
0x9c: {  	s6 =	simm.s32 $0x0;
	s20 =	sshll.u32 s4, $0x1;
	s4 =	sadd.s32 s21, s2  }
0x9d: {  	[timem:s6], [sflag:s22] =	dma.local [hbm:s4], s20  }
0x9e: {  	_ =	swait.ge [sflag:s22], s20  }
0x9f: {  	s3 =	ssub.s32 $0x0, s20;
	[sflag:s22] =	ssyncset.done $0x0  }
0xa0: {  	[sflag:s22] =	ssyncadd.s32 s3;
	_ =	sdelay $0x1  }
0xa1: {  	s23 =	simm.s32 $0x1B8B  }
0xa2: {  	_ =	swait.ge [sflag:s23], $0x1  }
0xa3: {  	[sflag:s23] =	ssyncset.done $0x0  }
0xa4: {  	s25 =	simm.s32 $0x1B8E;
	s24 =	sld [smem:$0x3FFE];
	[sflag:s23] =	ssyncadd.s32 $0xFFFFFFFF  }
0xa5: {  	s26 =	simm.s32 $execute0_lowered;
	[smem:$0x3FD2] =	sst s25  }
0xa6: {  	s4 =	sshll.u32 s26, $0x1;
	_ =	strace $0x80000049;
	[dreg:$0x1] =	wrdreg $0xFFFFFFFF  }
0xa7: {  	s28 =	simm.s32 $_size_execute0_lowered;
	s2 =	sadd.s32 s2, s4;
	[dreg:$0x0] =	wrdreg $0x0  }
0xa8: {  	s4 =	sshll.u32 s28, $0x1;
	[dreg:$0x2] =	wrdreg s2  }
0xa9: {  	[dreg:$0x3] =	wrdreg s4  }
0xaa: {  	[dreg:$0x4] =	wrdreg $0xC0  }
0xab: {  	_ =	task [dreg:s6], $0x5FFFF  }
0xac: {  	[dreg:$0x1] =	wrdreg $0xFFFFFFFF  }
0xad: {  	[dreg:$0x0] =	wrdreg $0x60  }
0xae: {  	[dreg:$0x2] =	wrdreg s24  }
0xaf: {  	[dreg:$0x3] =	wrdreg $0x0  }
0xb0: {  	[dreg:$0x4] =	wrdreg $0x9  }
0xb1: {  	_ =	task.clear_ibuf [dreg:s6], $0x5FFFF;
	_ =	strace $0x90000049  }
0xb2: {  	s29 =	simm.s32 $0x9;
	_ =	strace $0x8000004B  }
0xb3: {  	_ =	swait.ge [sflag:s29], $0x1  }
0xb4: {  	[sflag:s29] =	ssyncadd.s32 $0xFFFFFFFF  }
0xb5: {  	_ =	strace $0x9000004B  }
0xb6: {  	_ =	sfence  }
0xb7: {  	s30 =	sld [smem:$0x0];
	_ =	sdelay $0x2  }
0xb8: {  	s31 =	sshll.u32 s1, $0xD;
	s1 =	sshrl.u32 s1, $0x2  }
0xb9: {  	s3 =	sand.u32 $0x4000, s31;
	s1 =	sadd.s32 s1, s30  }
0xba: {  	s0 =	sor.u32 s3, s0;
	s1 =	sshll.u32 s1, $0x11  }
0xbb: {  	s0 =	sor.u32 s1, s0  }
0xbc: {  	s0 =	sadd.s32 $0x8F2B, s0  }
0xbd: {  	[sflag:s0] =	ssyncadd.remote.s32 $0x1  }
0xbe: {  	_ =	sfence.sel $0xFFFF  }
0xbf: {  	[dreg:$0x0] =	wrdreg $0xFFFFFFFF;
	(pc) =	sbr.abs _section_cstart, $3  }
0xc0: {  	[dreg:$0x1] =	wrdreg $0xFFFFFFFF  }
0xc1: {  	_ =	task.clear_ibuf [dreg:s6], $0x2FFFF;
	_ =	strace $0x9FFFFFFF  }
0xc2: {  	(tm) =	ssettm $0x7FFFFFFF  }
0xc3: {  	_ =	shalt  }
tec
execute0_lowered:
.L_overlay_start_1:
0x0: {  	(tag) =	ssettag $0x1  }
0x1: {  	s0 =	srdreg.scid;
	s1 =	rddreg [dreg:$0x0]  }
0x2: {  	s2 =	rddreg [dreg:$0x1];
	s17 =	stileid.u32  }
0x3: {  	s3 =	simm.s32 $0x0;
	s18 =	simm.s32 $0x5;
	s19 =	simm.s32 $0x17080  }
0x4: {  	s20 =	simm.s32 $0x17100;
	s21 =	simm.s32 $0x80;
	s7 =	smul.u32 $0x2900, s17  }
0x5: {  	s28 =	simm.s32 $0x2;
	s30 =	simm.s32 $0x0;
	s11 =	smul.u32 $0x52000, s17  }
0x6: {  	s0 =	sand.u32 $0x1, s0;
	[smem:$0x7FF] =	sst s3;
	s24 =	smul.u32 $0x2800, s17  }
0x7: {  	s16 =	sadd.s32 $0x2000, s1;
	s13 =	sadd.s32 $0x68400, s1;
	s12 =	smul.u32 $0x29100, s0  }
0x8: {  	p0 =	seq.s32 s17, $0xF;
	s4 =	sshll.u32 s0, $0x4;
	s15 =	smul.u32 $0x148800, s0  }
0x9: {  	_ =	strace $0x8000004A;
	s8 =	ssub.s32 $0x2, s0;
	s0 =	smul.u32 $0x28000, s0  }
0xa: {  	s5 =	sor.u32 s17, s4;
	s4 =	sadd.s32 $0x16000, s1;
	s9 =	sadd.s32 s7, s1  }
0xb: {  	s10 =	sshrl.u32 s8, $0x1;
	s22 =	sshrl.u32 s11, $0x2;
	s6 =	smul.u32 $0x500, s5  }
0xc: {  	s11 =	sadd.s32 $0x65900, s1;
	s17 =	simm.s32 $0x14880;
	s5 =	smul.u32 $0x2800, s5  }
0xd: {  	s14 =	ssub.s32 s8, s10;
	s9 =	sadd.s32 $0x3F200, s9;
	s10 =	sadd.s32 $0x133800, s2  }
0xe: {  	s25 =	sadd.s32 s7, s12;
	s26 =	sshrl.u32 s15, $0x3;
	s0 =	sadd.s32 s24, s0  }
0xf: {  	s24 =	simm.s32 $0x3;
	s12 =	sadd.s32 s13, s25;
	s29 =	sadd.s32 s13, s26  }
0x10: {  	s14 =	smax.u32 s14, $0x1;
	s25 =	simm.s32 $0x1;
	s6 =	sadd.s32 s6, s1  }
0x11: {  	s26 =	simm.s32 $0x4;
	s5 =	sshrl.u32 s5, $0x3;
	s6 =	sadd.s32 $0xC000, s6  }
0x12: {  	s13 =	sadd.s32 $0x26700, s29;
	[dreg:$0x3] =	wrdreg s6;
	s6 =	sadd.s32 s16, s5  }
0x13: {  	s5 =	sadd.s32 s22, s2;
	s22 =	simm.s32 $0x17180;
	s23 =	sadd.s32 $0x10, s6  }
0x14: {  	[dreg:$0x5] =	wrdreg s5;
	s5 =	sor.u32 $0x180, s0;
	s0 =	sor.u32 $0x100, s0  }
0x15: {  	[dreg:$0x4] =	wrdreg s23;
	s31 =	sshrl.u32 s5, $0x3;
	s0 =	sshrl.u32 s0, $0x3  }
0x16: {  	s23 =	simm.s32 $0x1B180;
	s15 =	sadd.s32 s31, s16;
	s16 =	sadd.s32 s0, s16  }
.LBB2_1:
0x17: {  	s0 =	rddreg [dreg:$0x3]  }
0x18: {  	[tilespmem:s17], [sflag:$0x5] =	stream.linear.gather [hbm4b:s0+s3], $0x2800, $0x38;
	[tilespmem:$0x1F180] =	vst v63  }
0x19: {  	_ =	swait.ge [sflag:s18], $0x2800  }
0x1a: {  	[sflag:s18] =	ssyncset.done $0x0  }
0x1b: {  	[sflag:s18] =	ssyncadd.s32 $0xFFFFD800  }
0x1c: {  	[tilespmem:s19], [sflag:$0x3] =	stream.linear.gather [hbm4b:s6+s3], $0x80, $0x38;
	[tilespmem:$0x1F180] =	vst v63  }
0x1d: {  	s7 =	rddreg [dreg:$0x4]  }
0x1e: {  	[tilespmem:s20], [sflag:$0x4] =	stream.linear.gather [hbm4b:s7+s3], $0x80, $0x38;
	[tilespmem:$0x1F180] =	vst v63  }
0x1f: {  	s31 =	sshrl.u32 @p0 s10, $0x3;
	s0 =	simm.s32 @p0 $0x1FC5  }
0x20: {  	[tilespmem:s22], [sflag:$0x1] =	stream.indirect.gather [hbm4b:s4+s21], $0x80, s17, s21, $0xb8;
	[tilespmem:$0x1F180] =	vst v63  }
0x21: {  	[spmem:s31], [sflag:s0] =	dma.local @p0 [hbm:s11], $0x2A00  }
0x22: {  	s0 =	simm.s32 @p0 $0x5  }
0x23: {  	s1 =	stileid.u32;
	_ =	swait.ge @p0 [sflag:s0], $0x2A00  }
0x24: {  	s1 =	sshll.u32 @!p0 s1, $0x6;
	[sflag:s0] =	ssyncset.done @p0 $0x0  }
0x25: {  	[sflag:s0] =	ssyncadd.s32 @p0 $0xFFFFD600;
	s0 =	sor.u32 @!p0 $0x1C05, s1;
	s1 =	rddreg [dreg:$0x5]  }
0x26: {  	s5 =	simm.s32 @!p0 $0x5;
	s1 =	sshrl.u32 @!p0 s1, $0x3  }
0x27: {  	[spmem:s1], [sflag:s0] =	dma.local @!p0 [hbm:s9], $0x2900  }
0x28: {  	_ =	swait.ge @!p0 [sflag:s5], $0x2900  }
0x29: {  	[sflag:s5] =	ssyncset.done @!p0 $0x0  }
0x2a: {  	[sflag:s5] =	ssyncadd.s32 @!p0 $0xFFFFD700  }
0x2b: {  	s8 =	simm.s32 $0x14900;
	[bflag:$0x0] =	sbarrier.arrive $0xFFFF  }
0x2c: {  	[tilespmem:s23], [sflag:$0x2] =	stream.indirect.gather [hbm4b:s4+s21], $0x80, s8, s21, $0xb8;
	[tilespmem:$0x1F180] =	vst v63  }
0x2d: {  	_ =	swait.ge [sflag:s24], $0x80  }
0x2e: {  	[sflag:s24] =	ssyncset.done $0x0  }
0x2f: {  	[sflag:s24] =	ssyncadd.s32 $0xFFFFFF80  }
0x30: {  	_ =	swait.ge [sflag:s25], $0x4000  }
0x31: {  	[sflag:s25] =	ssyncset.done $0x0  }
0x32: {  	[sflag:s25] =	ssyncadd.s32 $0xFFFFC000  }
0x33: {  	[spmem:s2] =	stream.indirect.scatter.add.f32 [tilespmem:s22], [sflag:$0x5], $0x80, s19, s21, $0xb8;
	[tilespmem:$0x1F180] =	vst v63  }
0x34: {  	_ =	swait.ge [sflag:s18], $0x4000  }
0x35: {  	[sflag:s18] =	ssyncset.done $0x0  }
0x36: {  	s7 =	sadd.s32 $0x0, s16;
	[sflag:s18] =	ssyncadd.s32 $0xFFFFC000  }
0x37: {  	[tilespmem:s19], [sflag:$0x3] =	stream.linear.gather [hbm4b:s7+s3], $0x80, $0x38;
	[tilespmem:$0x1F180] =	vst v63  }
0x38: {  	s8 =	simm.s32 $0x14980  }
0x39: {  	[tilespmem:s22], [sflag:$0x1] =	stream.indirect.gather [hbm4b:s4+s21], $0x80, s8, s21, $0xb8;
	[tilespmem:$0x1F180] =	vst v63  }
0x3a: {  	_ =	swait.ge [sflag:s26], $0x80  }
0x3b: {  	[sflag:s26] =	ssyncset.done $0x0  }
0x3c: {  	[sflag:s26] =	ssyncadd.s32 $0xFFFFFF80  }
0x3d: {  	_ =	swait.ge [sflag:s28], $0x4000  }
0x3e: {  	[sflag:s28] =	ssyncset.done $0x0  }
0x3f: {  	[sflag:s28] =	ssyncadd.s32 $0xFFFFC000  }
0x40: {  	[spmem:s2] =	stream.indirect.scatter.add.f32 [tilespmem:s23], [sflag:$0x5], $0x80, s20, s21, $0xb8;
	[tilespmem:$0x1F180] =	vst v63  }
0x41: {  	_ =	swait.ge [sflag:s18], $0x4000  }
0x42: {  	s29 =	simm.s32 $0x20;
	[sflag:s18] =	ssyncset.done $0x0  }
0x43: {  	s5 =	simm.s32 $0x14A00;
	s7 =	sadd.s32 $0x0, s15;
	[sflag:s18] =	ssyncadd.s32 $0xFFFFC000  }
.LBB2_2:
0x44: {  	[tilespmem:s20], [sflag:$0x4] =	stream.linear.gather [hbm4b:s7+s3], $0x80, $0x38;
	[tilespmem:$0x1F180] =	vst v63  }
0x45: {  	p1 =	sne.s32 s29, $0x4C0;
	s7 =	smov.u32 s29;
	s29 =	sadd.s32 $0x20, s29  }
0x46: {  	[tilespmem:s23], [sflag:$0x2] =	stream.indirect.gather [hbm4b:s4+s21], $0x80, s5, s21, $0xb8;
	[tilespmem:$0x1F180] =	vst v63  }
0x47: {  	_ =	swait.ge [sflag:s24], $0x80  }
0x48: {  	[sflag:s24] =	ssyncset.done $0x0  }
0x49: {  	[sflag:s24] =	ssyncadd.s32 $0xFFFFFF80  }
0x4a: {  	_ =	swait.ge [sflag:s25], $0x4000  }
0x4b: {  	[sflag:s25] =	ssyncset.done $0x0  }
0x4c: {  	[sflag:s25] =	ssyncadd.s32 $0xFFFFC000  }
0x4d: {  	[spmem:s2] =	stream.indirect.scatter.add.f32 [tilespmem:s22], [sflag:$0x5], $0x80, s19, s21, $0xb8;
	[tilespmem:$0x1F180] =	vst v63  }
0x4e: {  	_ =	swait.ge [sflag:s18], $0x4000  }
0x4f: {  	[sflag:s18] =	ssyncset.done $0x0  }
0x50: {  	s8 =	sadd.s32 s7, s16;
	[sflag:s18] =	ssyncadd.s32 $0xFFFFC000  }
0x51: {  	[tilespmem:s19], [sflag:$0x3] =	stream.linear.gather [hbm4b:s8+s3], $0x80, $0x38;
	[tilespmem:$0x1F180] =	vst v63  }
0x52: {  	s8 =	sadd.s32 $0x80, s5  }
0x53: {  	[tilespmem:s22], [sflag:$0x1] =	stream.indirect.gather [hbm4b:s4+s21], $0x80, s8, s21, $0xb8;
	[tilespmem:$0x1F180] =	vst v63  }
0x54: {  	_ =	swait.ge [sflag:s26], $0x80  }
0x55: {  	[sflag:s26] =	ssyncset.done $0x0  }
0x56: {  	[sflag:s26] =	ssyncadd.s32 $0xFFFFFF80  }
0x57: {  	_ =	swait.ge [sflag:s28], $0x4000  }
0x58: {  	[sflag:s28] =	ssyncset.done $0x0  }
.Ltmp0:
0x59: {  	[sflag:s28] =	ssyncadd.s32 $0xFFFFC000;
	(pc) =	sbr.rel @p1 .LBB2_2-.Ltmp0, $4  }
0x5a: {  	[spmem:s2] =	stream.indirect.scatter.add.f32 [tilespmem:s23], [sflag:$0x5], $0x80, s20, s21, $0xb8;
	[tilespmem:$0x1F180] =	vst v63  }
0x5b: {  	_ =	swait.ge [sflag:s18], $0x4000  }
0x5c: {  	[sflag:s18] =	ssyncset.done $0x0  }
0x5d: {  	s7 =	sadd.s32 s7, s15;
	s5 =	sadd.s32 $0x100, s5;
	[sflag:s18] =	ssyncadd.s32 $0xFFFFC000  }
0x5e: {  	[tilespmem:s20], [sflag:$0x4] =	stream.linear.gather [hbm4b:s7+s3], $0x80, $0x38;
	[tilespmem:$0x1F180] =	vst v63  }
0x5f: {  	s5 =	simm.s32 $0x17000  }
0x60: {  	[tilespmem:s23], [sflag:$0x2] =	stream.indirect.gather [hbm4b:s4+s21], $0x80, s5, s21, $0xb8;
	[tilespmem:$0x1F180] =	vst v63  }
0x61: {  	_ =	swait.ge [sflag:s24], $0x80  }
0x62: {  	[sflag:s24] =	ssyncset.done $0x0  }
0x63: {  	[sflag:s24] =	ssyncadd.s32 $0xFFFFFF80  }
0x64: {  	_ =	swait.ge [sflag:s25], $0x4000  }
0x65: {  	[sflag:s25] =	ssyncset.done $0x0  }
0x66: {  	[sflag:s25] =	ssyncadd.s32 $0xFFFFC000  }
0x67: {  	[spmem:s2] =	stream.indirect.scatter.add.f32 [tilespmem:s22], [sflag:$0x5], $0x80, s19, s21, $0xb8;
	[tilespmem:$0x1F180] =	vst v63  }
0x68: {  	_ =	swait.ge [sflag:s18], $0x4000  }
0x69: {  	[sflag:s18] =	ssyncset.done $0x0  }
0x6a: {  	[sflag:s18] =	ssyncadd.s32 $0xFFFFC000  }
0x6b: {  	_ =	swait.ge [sflag:s26], $0x80  }
0x6c: {  	[sflag:s26] =	ssyncset.done $0x0  }
0x6d: {  	[sflag:s26] =	ssyncadd.s32 $0xFFFFFF80  }
0x6e: {  	_ =	swait.ge [sflag:s28], $0x4000  }
0x6f: {  	[sflag:s28] =	ssyncset.done $0x0  }
0x70: {  	[sflag:s28] =	ssyncadd.s32 $0xFFFFC000  }
0x71: {  	[spmem:s2] =	stream.indirect.scatter.add.f32 [tilespmem:s23], [sflag:$0x5], $0x80, s20, s21, $0xb8;
	[tilespmem:$0x1F180] =	vst v63  }
0x72: {  	_ =	swait.ge [sflag:s18], $0x4000  }
0x73: {  	[sflag:s18] =	ssyncset.done $0x0  }
0x74: {  	[sflag:s18] =	ssyncadd.s32 $0xFFFFC000  }
0x75: {  	s5 =	simm.s32 @p0 $0x1FC5;
	[bflag:$0x0] =	sbarrier.arrive $0xFFFF  }
0x76: {  	[hbm:s13], [sflag:s5] =	dma.local @p0 [spmem:s31], $0x2A00  }
0x77: {  	s5 =	simm.s32 @p0 $0x5  }
0x78: {  	_ =	swait.ge @p0 [sflag:s5], $0x2A00  }
0x79: {  	s30 =	sadd.s32 $0x1, s30;
	[sflag:s5] =	ssyncset.done @p0 $0x0  }
0x7a: {  	p1 =	sne.s32 s30, s14;
	[sflag:s5] =	ssyncadd.s32 @p0 $0xFFFFD600  }
0x7b: {  	[hbm:s12], [sflag:s0] =	dma.local @!p0 [spmem:s1], $0x2900  }
.Ltmp1:
0x7c: {  	_ = 	snop;
	(pc) =	sbr.rel @p1 .LBB2_1-.Ltmp1, $4  }
0x7d: {  	s0 =	simm.s32 @!p0 $0x5  }
0x7e: {  	_ =	swait.ge @!p0 [sflag:s0], $0x2900  }
0x7f: {  	[sflag:s0] =	ssyncset.done @!p0 $0x0  }
0x80: {  	[sflag:s0] =	ssyncadd.s32 @!p0 $0xFFFFD700  }
0x81: {  	_ =	sfence.sel $0x180000  }
0x82: {  	[bflag:$0x0] =	sbarrier.arrive $0xFFFF  }
0x83: {  	_ =	strace $0x9000004A  }
0x84: {  	s0 =	stileid.u32;
	[bflag:$0x2] =	sbarrier.arrive $0xFFFF  }
0x85: {  	p0 =	sne.s32 s0, $0x0;
	s0 =	rddreg [dreg:$0x2]  }
0x86: {  	s0 =	sadd.s32 @!p0 $0x100000, s0  }
0x87: {  	[sflag:s0] =	ssyncadd.tile.s32 @!p0 $0x1;
	_ =	shalt  }
.Lfunc_end2:
_tile_overlayer_lowered:
.L_overlay_start_2:
0x88: {  	(tag) =	ssettag $0x2  }
0x89: {  	s0 =	rddreg [dreg:$0x0];
	s2 =	stileid.u32  }
0x8a: {  	s1 =	rddreg [dreg:$0x1];
	p0 =	sne.s32 s2, $0x0  }
0x8b: {  	s3 =	rddreg [dreg:$0x2];
	[bflag:$0x3] =	sbarrier.arrive $0xFFFF;
	s2 =	simm.s32 @!p0 $0x1C05  }
0x8c: {  	[timem:s3], [sflag:s2] =	dma.local @!p0 [hbm:s0], s1  }
0x8d: {  	s0 =	simm.s32 @!p0 $0x5  }
0x8e: {  	_ =	swait.ge @!p0 [sflag:s0], s1  }
0x8f: {  	s1 =	ssub.s32 @!p0 $0x0, s1;
	[sflag:s0] =	ssyncset.done @!p0 $0x0  }
0x90: {  	[sflag:s0] =	ssyncadd.s32 @!p0 s1  }
0x91: {  	[bflag:$0x3] =	sbarrier.arrive $0xFFFF  }
0x92: {  	_ =	shalt  }

// kernel: kernel.14.cloned.1.call-start
scs
__scs_entry_jumppad:
0x0: {  	(pc) =	sbr.rel $0x88, $3  }
0x1: {  	(tag) =	ssettag $0x0;
	lr =	simm.s32 $0x1  }
0x2: {  	[smem:$0x3F9B] =	sst lr;
	_ =	strace $0xD0000000  }
0x3: {  	_ = 	snop  }
0x4: {  	_ = 	snop  }
0x5: {  	_ = 	snop  }
0x6: {  	_ = 	snop  }
0x7: {  	_ = 	snop  }
__scs_overlays_trampoline_lowered:
0x8: {  	[smem:$0x3FAA] =	sst s0  }
0x9: {  	[smem:$0x3FAB] =	sst s1  }
0xa: {  	[smem:$0x3FAC] =	sst s2  }
0xb: {  	[smem:$0x3FAD] =	sst s3  }
0xc: {  	[smem:$0x3FAE] =	sst s4  }
0xd: {  	[smem:$0x3FAF] =	sst s5  }
0xe: {  	[smem:$0x3FB0] =	sst s6  }
0xf: {  	[smem:$0x3FB1] =	sst s7  }
0x10: {  	[smem:$0x3FB2] =	sst s8  }
0x11: {  	[smem:$0x3FB3] =	sst s9;
	s0 =	simm.s32 @!p0 $0x0  }
0x12: {  	s1 =	sld [smem:$0x3F99];
	s0 =	simm.s32 @p0 $0x1  }
0x13: {  	[smem:$0x3FB4] =	sst s0;
	s0 =	simm.s32 @!p1 $0x0  }
0x14: {  	s2 =	sld [smem:$0x3F98];
	s0 =	simm.s32 @p1 $0x1  }
0x15: {  	[smem:$0x3FB5] =	sst s0;
	s0 =	simm.s32 @!p2 $0x0  }
0x16: {  	s3 =	sld [smem:$0x3FDB];
	s0 =	simm.s32 @p2 $0x1  }
0x17: {  	s4 =	simm.s32 $0x1BF5;
	[smem:$0x3FB7] =	sst s0  }
0x18: {  	s0 =	sld [smem:$0x3F9A];
	_ =	swait.ge [sflag:s4], $0x0  }
0x19: {  	s7 =	sld [smem:$0x3F9B]  }
0x1a: {  	s8 =	sadd.s32 $0xFFFFE003, lr  }
0x1b: {  	s9 =	sadd.s32 $0xFFFFFEF7, lr;
	s5 =	simm.s32 $0xFFFFFFFF;
	p2 =	slt.u32 s8, $0xFFFFF086  }
0x1c: {  	p1 =	slt.u32 s9, $0xF7A;
	s5 =	simm.s32 @!p2 $0x0  }
0x1d: {  	s5 =	simm.s32 @p1 $0x1;
	p0 =	seq.s32 s7, s2  }
0x1e: {  	s7 =	smul.u32 @!p0 $0xF7A, s2;
	p2 =	seq.s32 @!p0 s5, $0x0  }
0x1f: {  	s9 =	smul.u32 $0xF7A, s1;
	s8 =	simm.s32 @!p0 $0x1BF5;
	p2 =	por !p2, p0  }
0x20: {  	[sflag:s8] =	ssyncset.s32 @!p0 $0xFFFFF086;
	s6 =	sadd.s32 @!p0 s3, s7;
	s7 =	simm.s32 @!p0 $0x108  }
0x21: {  	s3 =	sadd.s32 s3, s9;
	s6 =	sadd.s32 @!p0 $0x88, s6;
	s7 =	simm.s32 @p2 $0x1082  }
0x22: {  	[simem:s7], [sflag:s8] =	dma.local @!p0 [hbm:s6], $0xF7A  }
0x23: {  	s9 =	sor.u32 $0xD0000000, s2;
	s6 =	simm.s32 $0x108;
	_ =	swait.ge @!p0 [sflag:s8], $0x0  }
0x24: {  	s3 =	sadd.s32 $0x88, s3;
	s6 =	simm.s32 @!p1 $0x1082;
	[sflag:s4] =	ssyncset.s32 $0xFFFFF086  }
0x25: {  	[simem:s6], [sflag:s4] =	dma.local [hbm:s3], $0xF7A  }
0x26: {  	[smem:$0x3F9B] =	sst s1;
	(tag) =	ssettag s2;
	_ =	strace s9  }
0x27: {  	s1 =	sld [smem:$0x3FAB]  }
0x28: {  	s2 =	sld [smem:$0x3FAC]  }
0x29: {  	s4 =	sld [smem:$0x3FAE]  }
0x2a: {  	p0 =	seq.s32 s5, $0x0;
	s5 =	sld [smem:$0x3FAF]  }
0x2b: {  	s6 =	sld [smem:$0x3FB0]  }
0x2c: {  	s7 =	sld [smem:$0x3FB1]  }
0x2d: {  	s3 =	simm.s32 $0x108;
	s8 =	sld [smem:$0x3FB2]  }
0x2e: {  	s3 =	simm.s32 @!p0 $0x1082;
	s9 =	sld [smem:$0x3FB3]  }
0x2f: {  	lr =	sadd.s32 s0, s3;
	s0 =	sld [smem:$0x3FAA]  }
0x30: {  	s3 =	sld [smem:$0x3FAD]  }
0x31: {  	[smem:$0x3FB6] =	sst s10  }
0x32: {  	s10 =	sld [smem:$0x3FB4];
	_ =	sdelay $0x3  }
0x33: {  	p0 =	seq.s32 s10, $0x1;
	s10 =	sld [smem:$0x3FB6];
	_ =	sdelay $0x3  }
0x34: {  	[smem:$0x3FB6] =	sst s10  }
0x35: {  	s10 =	sld [smem:$0x3FB5];
	_ =	sdelay $0x3  }
0x36: {  	p1 =	seq.s32 s10, $0x1;
	s10 =	sld [smem:$0x3FB6];
	_ =	sdelay $0x3  }
0x37: {  	[smem:$0x3FB6] =	sst s10  }
0x38: {  	s10 =	sld [smem:$0x3FB7]  }
0x39: {  	_ = 	snop;
	(pc) =	sbr.ind lr, $3  }
0x3a: {  	_ = 	snop  }
0x3b: {  	_ = 	snop  }
0x3c: {  	p2 =	seq.s32 s10, $0x1;
	s10 =	sld [smem:$0x3FB6]  }
0x3d: {  	_ =	shalt  }
0x3e: {  	_ =	shalt  }
0x3f: {  	_ =	shalt  }
0x40: {  	_ =	shalt  }
0x41: {  	_ =	shalt  }
0x42: {  	_ =	shalt  }
0x43: {  	_ =	shalt  }
0x44: {  	_ =	shalt  }
0x45: {  	_ =	shalt  }
0x46: {  	_ =	shalt  }
0x47: {  	_ =	shalt  }
0x48: {  	_ =	shalt  }
0x49: {  	_ =	shalt  }
0x4a: {  	_ =	shalt  }
0x4b: {  	_ =	shalt  }
0x4c: {  	_ =	shalt  }
0x4d: {  	_ =	shalt  }
0x4e: {  	_ =	shalt  }
0x4f: {  	_ =	shalt  }
0x50: {  	_ =	shalt  }
0x51: {  	_ =	shalt  }
0x52: {  	_ =	shalt  }
0x53: {  	_ =	shalt  }
0x54: {  	_ =	shalt  }
0x55: {  	_ =	shalt  }
0x56: {  	_ =	shalt  }
0x57: {  	_ =	shalt  }
0x58: {  	_ =	shalt  }
0x59: {  	_ =	shalt  }
0x5a: {  	_ =	shalt  }
0x5b: {  	_ =	shalt  }
0x5c: {  	_ =	shalt  }
0x5d: {  	_ =	shalt  }
0x5e: {  	_ =	shalt  }
0x5f: {  	_ =	shalt  }
0x60: {  	_ =	shalt  }
0x61: {  	_ =	shalt  }
0x62: {  	_ =	shalt  }
0x63: {  	_ =	shalt  }
0x64: {  	_ =	shalt  }
0x65: {  	_ =	shalt  }
0x66: {  	_ =	shalt  }
0x67: {  	_ =	shalt  }
0x68: {  	_ =	shalt  }
0x69: {  	_ =	shalt  }
0x6a: {  	_ =	shalt  }
0x6b: {  	_ =	shalt  }
0x6c: {  	_ =	shalt  }
0x6d: {  	_ =	shalt  }
0x6e: {  	_ =	shalt  }
0x6f: {  	_ =	shalt  }
0x70: {  	_ =	shalt  }
0x71: {  	_ =	shalt  }
0x72: {  	_ =	shalt  }
0x73: {  	_ =	shalt  }
0x74: {  	_ =	shalt  }
0x75: {  	_ =	shalt  }
0x76: {  	_ =	shalt  }
0x77: {  	_ =	shalt  }
0x78: {  	_ =	shalt  }
0x79: {  	_ =	shalt  }
0x7a: {  	_ =	shalt  }
0x7b: {  	_ =	shalt  }
0x7c: {  	_ =	shalt  }
0x7d: {  	_ =	shalt  }
0x7e: {  	_ =	shalt  }
0x7f: {  	_ =	shalt  }
0x80: {  	_ =	shalt  }
0x81: {  	_ =	shalt  }
0x82: {  	_ =	shalt  }
0x83: {  	_ =	shalt  }
0x84: {  	_ =	shalt  }
0x85: {  	_ =	shalt  }
0x86: {  	_ =	shalt  }
0x87: {  	_ =	shalt  }
.Lfunc_end0:
.L_simem_size_0:
called_computation.2_lowered:
.L_overlay_start_0:
0x88: {  	s2 =	sld [smem:$0x3FD9]  }
0x89: {  	s3 =	sld [smem:$0x3FFE];
	_ =	sdelay $0x1  }
0x8a: {  	s1 =	srdreg.scid  }
0x8b: {  	s0 =	sand.u32 $0x1, s1  }
0x8c: {  	s16 =	sshll.u32 s0, $0xA;
	s2 =	sadd.s32 s3, s2  }
0x8d: {  	s2 =	sadd.s32 s2, s16  }
0x8e: {  	[smem:$0x3FC2] =	sst s2  }
0x8f: {  	_ = 	snop  }
0x90: {  	(tm) =	ssettm $0x1  }
0x91: {  	s17 =	sld [smem:$0x3FFB];
	_ =	sdelay $0x3  }
0x92: {  	_ =	strace s17  }
0x93: {  	s2 =	sld [smem:$0x3FFC];
	_ =	sdelay $0x3  }
0x94: {  	_ =	strace s2  }
0x95: {  	s2 =	sld [smem:$0x3FFD];
	_ =	sdelay $0x3  }
0x96: {  	_ =	strace s2  }
0x97: {  	_ =	strace $0x8FFFFFFF  }
0x98: {  	s18 =	sld [smem:$0x3FDB];
	_ =	sdelay $0x1  }
0x99: {  	s19 =	simm.s32 $_scs_section_size  }
0x9a: {  	s4 =	simm.s32 $_size__tile_overlayer_lowered;
	s5 =	simm.s32 $_tile_overlayer_lowered  }
0x9b: {  	s22 =	simm.s32 $0x1BFF;
	s21 =	sshll.u32 s5, $0x1;
	s2 =	sadd.s32 s19, s18  }
0x9c: {  	s6 =	simm.s32 $0x0;
	s20 =	sshll.u32 s4, $0x1;
	s4 =	sadd.s32 s21, s2  }
0x9d: {  	[timem:s6], [sflag:s22] =	dma.local [hbm:s4], s20  }
0x9e: {  	_ =	swait.ge [sflag:s22], s20  }
0x9f: {  	s3 =	ssub.s32 $0x0, s20;
	[sflag:s22] =	ssyncset.done $0x0  }
0xa0: {  	[sflag:s22] =	ssyncadd.s32 s3;
	_ =	sdelay $0x1  }
0xa1: {  	s23 =	simm.s32 $0x1B8B  }
0xa2: {  	_ =	swait.ge [sflag:s23], $0x1  }
0xa3: {  	[sflag:s23] =	ssyncset.done $0x0  }
0xa4: {  	s25 =	simm.s32 $0x1B8E;
	s24 =	sld [smem:$0x3FFE];
	[sflag:s23] =	ssyncadd.s32 $0xFFFFFFFF  }
0xa5: {  	s26 =	simm.s32 $execute0_lowered;
	[smem:$0x3FD2] =	sst s25  }
0xa6: {  	s4 =	sshll.u32 s26, $0x1;
	_ =	strace $0x8000004C;
	[dreg:$0x1] =	wrdreg $0xFFFFFFFF  }
0xa7: {  	s28 =	simm.s32 $_size_execute0_lowered;
	s2 =	sadd.s32 s2, s4;
	[dreg:$0x0] =	wrdreg $0x0  }
0xa8: {  	s4 =	sshll.u32 s28, $0x1;
	[dreg:$0x2] =	wrdreg s2  }
0xa9: {  	[dreg:$0x3] =	wrdreg s4  }
0xaa: {  	[dreg:$0x4] =	wrdreg $0xC0  }
0xab: {  	_ =	task [dreg:s6], $0x5FFFF  }
0xac: {  	[dreg:$0x1] =	wrdreg $0xFFFFFFFF  }
0xad: {  	[dreg:$0x0] =	wrdreg $0x60  }
0xae: {  	[dreg:$0x2] =	wrdreg s24  }
0xaf: {  	[dreg:$0x3] =	wrdreg $0x0  }
0xb0: {  	[dreg:$0x4] =	wrdreg $0x9  }
0xb1: {  	_ =	task.clear_ibuf [dreg:s6], $0x5FFFF;
	_ =	strace $0x9000004C  }
0xb2: {  	s29 =	simm.s32 $0x9;
	_ =	strace $0x8000004E  }
0xb3: {  	_ =	swait.ge [sflag:s29], $0x1  }
0xb4: {  	[sflag:s29] =	ssyncadd.s32 $0xFFFFFFFF  }
0xb5: {  	_ =	strace $0x9000004E  }
0xb6: {  	_ =	sfence  }
0xb7: {  	s30 =	sld [smem:$0x0];
	_ =	sdelay $0x2  }
0xb8: {  	s31 =	sshll.u32 s1, $0xD;
	s1 =	sshrl.u32 s1, $0x2  }
0xb9: {  	s3 =	sand.u32 $0x4000, s31;
	s1 =	sadd.s32 s1, s30  }
0xba: {  	s0 =	sor.u32 s3, s0;
	s1 =	sshll.u32 s1, $0x11  }
0xbb: {  	s0 =	sor.u32 s1, s0  }
0xbc: {  	s0 =	sadd.s32 $0x8F2B, s0  }
0xbd: {  	[sflag:s0] =	ssyncadd.remote.s32 $0x1  }
0xbe: {  	_ =	sfence.sel $0xFFFF  }
0xbf: {  	[dreg:$0x0] =	wrdreg $0xFFFFFFFF;
	(pc) =	sbr.abs _section_cstart, $3  }
0xc0: {  	[dreg:$0x1] =	wrdreg $0xFFFFFFFF  }
0xc1: {  	_ =	task.clear_ibuf [dreg:s6], $0x2FFFF;
	_ =	strace $0x9FFFFFFF  }
0xc2: {  	(tm) =	ssettm $0x7FFFFFFF  }
0xc3: {  	_ =	shalt  }
tec
execute0_lowered:
.L_overlay_start_1:
0x0: {  	(tag) =	ssettag $0x1  }
0x1: {  	s0 =	srdreg.scid;
	s1 =	rddreg [dreg:$0x0]  }
0x2: {  	s2 =	rddreg [dreg:$0x1];
	s17 =	stileid.u32  }
0x3: {  	s3 =	simm.s32 $0x0;
	s18 =	simm.s32 $0x5;
	s19 =	simm.s32 $0x17080  }
0x4: {  	s20 =	simm.s32 $0x17100;
	s21 =	simm.s32 $0x80;
	s7 =	smul.u32 $0x2900, s17  }
0x5: {  	s28 =	simm.s32 $0x2;
	s30 =	simm.s32 $0x0;
	s11 =	smul.u32 $0x52000, s17  }
0x6: {  	s0 =	sand.u32 $0x1, s0;
	[smem:$0x7FF] =	sst s3;
	s24 =	smul.u32 $0x2800, s17  }
0x7: {  	s16 =	sadd.s32 $0x2000, s1;
	s13 =	sadd.s32 $0x68400, s1;
	s12 =	smul.u32 $0x29100, s0  }
0x8: {  	p0 =	seq.s32 s17, $0xF;
	s4 =	sshll.u32 s0, $0x4;
	s15 =	smul.u32 $0x148800, s0  }
0x9: {  	_ =	strace $0x8000004D;
	s8 =	ssub.s32 $0x2, s0;
	s0 =	smul.u32 $0x28000, s0  }
0xa: {  	s5 =	sor.u32 s17, s4;
	s4 =	sadd.s32 $0x16000, s1;
	s9 =	sadd.s32 s7, s1  }
0xb: {  	s10 =	sshrl.u32 s8, $0x1;
	s22 =	sshrl.u32 s11, $0x2;
	s6 =	smul.u32 $0x500, s5  }
0xc: {  	s11 =	sadd.s32 $0x65900, s1;
	s17 =	simm.s32 $0x14880;
	s5 =	smul.u32 $0x2800, s5  }
0xd: {  	s14 =	ssub.s32 s8, s10;
	s9 =	sadd.s32 $0x3F200, s9;
	s10 =	sadd.s32 $0x133800, s2  }
0xe: {  	s25 =	sadd.s32 s7, s12;
	s26 =	sshrl.u32 s15, $0x3;
	s0 =	sadd.s32 s24, s0  }
0xf: {  	s24 =	simm.s32 $0x3;
	s12 =	sadd.s32 s13, s25;
	s29 =	sadd.s32 s13, s26  }
0x10: {  	s14 =	smax.u32 s14, $0x1;
	s25 =	simm.s32 $0x1;
	s6 =	sadd.s32 s6, s1  }
0x11: {  	s26 =	simm.s32 $0x4;
	s5 =	sshrl.u32 s5, $0x3;
	s6 =	sadd.s32 $0xC000, s6  }
0x12: {  	s13 =	sadd.s32 $0x26700, s29;
	[dreg:$0x3] =	wrdreg s6;
	s6 =	sadd.s32 s16, s5  }
0x13: {  	s5 =	sadd.s32 s22, s2;
	s22 =	simm.s32 $0x17180;
	s23 =	sadd.s32 $0x10, s6  }
0x14: {  	[dreg:$0x5] =	wrdreg s5;
	s5 =	sor.u32 $0x180, s0;
	s0 =	sor.u32 $0x100, s0  }
0x15: {  	[dreg:$0x4] =	wrdreg s23;
	s31 =	sshrl.u32 s5, $0x3;
	s0 =	sshrl.u32 s0, $0x3  }
0x16: {  	s23 =	simm.s32 $0x1B180;
	s15 =	sadd.s32 s31, s16;
	s16 =	sadd.s32 s0, s16  }
.LBB2_1:
0x17: {  	s0 =	rddreg [dreg:$0x3]  }
0x18: {  	[tilespmem:s17], [sflag:$0x5] =	stream.linear.gather [hbm4b:s0+s3], $0x2800, $0x38;
	[tilespmem:$0x1F180] =	vst v63  }
0x19: {  	_ =	swait.ge [sflag:s18], $0x2800  }
0x1a: {  	[sflag:s18] =	ssyncset.done $0x0  }
0x1b: {  	[sflag:s18] =	ssyncadd.s32 $0xFFFFD800  }
0x1c: {  	[tilespmem:s19], [sflag:$0x3] =	stream.linear.gather [hbm4b:s6+s3], $0x80, $0x38;
	[tilespmem:$0x1F180] =	vst v63  }
0x1d: {  	s7 =	rddreg [dreg:$0x4]  }
0x1e: {  	[tilespmem:s20], [sflag:$0x4] =	stream.linear.gather [hbm4b:s7+s3], $0x80, $0x38;
	[tilespmem:$0x1F180] =	vst v63  }
0x1f: {  	s31 =	sshrl.u32 @p0 s10, $0x3;
	s0 =	simm.s32 @p0 $0x1FC5  }
0x20: {  	[tilespmem:s22], [sflag:$0x1] =	stream.indirect.gather [hbm4b:s4+s21], $0x80, s17, s21, $0xb8;
	[tilespmem:$0x1F180] =	vst v63  }
0x21: {  	[spmem:s31], [sflag:s0] =	dma.local @p0 [hbm:s11], $0x2A00  }
0x22: {  	s0 =	simm.s32 @p0 $0x5  }
0x23: {  	s1 =	stileid.u32;
	_ =	swait.ge @p0 [sflag:s0], $0x2A00  }
0x24: {  	s1 =	sshll.u32 @!p0 s1, $0x6;
	[sflag:s0] =	ssyncset.done @p0 $0x0  }
0x25: {  	[sflag:s0] =	ssyncadd.s32 @p0 $0xFFFFD600;
	s0 =	sor.u32 @!p0 $0x1C05, s1;
	s1 =	rddreg [dreg:$0x5]  }
0x26: {  	s5 =	simm.s32 @!p0 $0x5;
	s1 =	sshrl.u32 @!p0 s1, $0x3  }
0x27: {  	[spmem:s1], [sflag:s0] =	dma.local @!p0 [hbm:s9], $0x2900  }
0x28: {  	_ =	swait.ge @!p0 [sflag:s5], $0x2900  }
0x29: {  	[sflag:s5] =	ssyncset.done @!p0 $0x0  }
0x2a: {  	[sflag:s5] =	ssyncadd.s32 @!p0 $0xFFFFD700  }
0x2b: {  	s8 =	simm.s32 $0x14900;
	[bflag:$0x0] =	sbarrier.arrive $0xFFFF  }
0x2c: {  	[tilespmem:s23], [sflag:$0x2] =	stream.indirect.gather [hbm4b:s4+s21], $0x80, s8, s21, $0xb8;
	[tilespmem:$0x1F180] =	vst v63  }
0x2d: {  	_ =	swait.ge [sflag:s24], $0x80  }
0x2e: {  	[sflag:s24] =	ssyncset.done $0x0  }
0x2f: {  	[sflag:s24] =	ssyncadd.s32 $0xFFFFFF80  }
0x30: {  	_ =	swait.ge [sflag:s25], $0x4000  }
0x31: {  	[sflag:s25] =	ssyncset.done $0x0  }
0x32: {  	[sflag:s25] =	ssyncadd.s32 $0xFFFFC000  }
0x33: {  	[spmem:s2] =	stream.indirect.scatter.add.f32 [tilespmem:s22], [sflag:$0x5], $0x80, s19, s21, $0xb8;
	[tilespmem:$0x1F180] =	vst v63  }
0x34: {  	_ =	swait.ge [sflag:s18], $0x4000  }
0x35: {  	[sflag:s18] =	ssyncset.done $0x0  }
0x36: {  	s7 =	sadd.s32 $0x0, s16;
	[sflag:s18] =	ssyncadd.s32 $0xFFFFC000  }
0x37: {  	[tilespmem:s19], [sflag:$0x3] =	stream.linear.gather [hbm4b:s7+s3], $0x80, $0x38;
	[tilespmem:$0x1F180] =	vst v63  }
0x38: {  	s8 =	simm.s32 $0x14980  }
0x39: {  	[tilespmem:s22], [sflag:$0x1] =	stream.indirect.gather [hbm4b:s4+s21], $0x80, s8, s21, $0xb8;
	[tilespmem:$0x1F180] =	vst v63  }
0x3a: {  	_ =	swait.ge [sflag:s26], $0x80  }
0x3b: {  	[sflag:s26] =	ssyncset.done $0x0  }
0x3c: {  	[sflag:s26] =	ssyncadd.s32 $0xFFFFFF80  }
0x3d: {  	_ =	swait.ge [sflag:s28], $0x4000  }
0x3e: {  	[sflag:s28] =	ssyncset.done $0x0  }
0x3f: {  	[sflag:s28] =	ssyncadd.s32 $0xFFFFC000  }
0x40: {  	[spmem:s2] =	stream.indirect.scatter.add.f32 [tilespmem:s23], [sflag:$0x5], $0x80, s20, s21, $0xb8;
	[tilespmem:$0x1F180] =	vst v63  }
0x41: {  	_ =	swait.ge [sflag:s18], $0x4000  }
0x42: {  	s29 =	simm.s32 $0x20;
	[sflag:s18] =	ssyncset.done $0x0  }
0x43: {  	s5 =	simm.s32 $0x14A00;
	s7 =	sadd.s32 $0x0, s15;
	[sflag:s18] =	ssyncadd.s32 $0xFFFFC000  }
.LBB2_2:
0x44: {  	[tilespmem:s20], [sflag:$0x4] =	stream.linear.gather [hbm4b:s7+s3], $0x80, $0x38;
	[tilespmem:$0x1F180] =	vst v63  }
0x45: {  	p1 =	sne.s32 s29, $0x4C0;
	s7 =	smov.u32 s29;
	s29 =	sadd.s32 $0x20, s29  }
0x46: {  	[tilespmem:s23], [sflag:$0x2] =	stream.indirect.gather [hbm4b:s4+s21], $0x80, s5, s21, $0xb8;
	[tilespmem:$0x1F180] =	vst v63  }
0x47: {  	_ =	swait.ge [sflag:s24], $0x80  }
0x48: {  	[sflag:s24] =	ssyncset.done $0x0  }
0x49: {  	[sflag:s24] =	ssyncadd.s32 $0xFFFFFF80  }
0x4a: {  	_ =	swait.ge [sflag:s25], $0x4000  }
0x4b: {  	[sflag:s25] =	ssyncset.done $0x0  }
0x4c: {  	[sflag:s25] =	ssyncadd.s32 $0xFFFFC000  }
0x4d: {  	[spmem:s2] =	stream.indirect.scatter.add.f32 [tilespmem:s22], [sflag:$0x5], $0x80, s19, s21, $0xb8;
	[tilespmem:$0x1F180] =	vst v63  }
0x4e: {  	_ =	swait.ge [sflag:s18], $0x4000  }
0x4f: {  	[sflag:s18] =	ssyncset.done $0x0  }
0x50: {  	s8 =	sadd.s32 s7, s16;
	[sflag:s18] =	ssyncadd.s32 $0xFFFFC000  }
0x51: {  	[tilespmem:s19], [sflag:$0x3] =	stream.linear.gather [hbm4b:s8+s3], $0x80, $0x38;
	[tilespmem:$0x1F180] =	vst v63  }
0x52: {  	s8 =	sadd.s32 $0x80, s5  }
0x53: {  	[tilespmem:s22], [sflag:$0x1] =	stream.indirect.gather [hbm4b:s4+s21], $0x80, s8, s21, $0xb8;
	[tilespmem:$0x1F180] =	vst v63  }
0x54: {  	_ =	swait.ge [sflag:s26], $0x80  }
0x55: {  	[sflag:s26] =	ssyncset.done $0x0  }
0x56: {  	[sflag:s26] =	ssyncadd.s32 $0xFFFFFF80  }
0x57: {  	_ =	swait.ge [sflag:s28], $0x4000  }
0x58: {  	[sflag:s28] =	ssyncset.done $0x0  }
.Ltmp0:
0x59: {  	[sflag:s28] =	ssyncadd.s32 $0xFFFFC000;
	(pc) =	sbr.rel @p1 .LBB2_2-.Ltmp0, $4  }
0x5a: {  	[spmem:s2] =	stream.indirect.scatter.add.f32 [tilespmem:s23], [sflag:$0x5], $0x80, s20, s21, $0xb8;
	[tilespmem:$0x1F180] =	vst v63  }
0x5b: {  	_ =	swait.ge [sflag:s18], $0x4000  }
0x5c: {  	[sflag:s18] =	ssyncset.done $0x0  }
0x5d: {  	s7 =	sadd.s32 s7, s15;
	s5 =	sadd.s32 $0x100, s5;
	[sflag:s18] =	ssyncadd.s32 $0xFFFFC000  }
0x5e: {  	[tilespmem:s20], [sflag:$0x4] =	stream.linear.gather [hbm4b:s7+s3], $0x80, $0x38;
	[tilespmem:$0x1F180] =	vst v63  }
0x5f: {  	s5 =	simm.s32 $0x17000  }
0x60: {  	[tilespmem:s23], [sflag:$0x2] =	stream.indirect.gather [hbm4b:s4+s21], $0x80, s5, s21, $0xb8;
	[tilespmem:$0x1F180] =	vst v63  }
0x61: {  	_ =	swait.ge [sflag:s24], $0x80  }
0x62: {  	[sflag:s24] =	ssyncset.done $0x0  }
0x63: {  	[sflag:s24] =	ssyncadd.s32 $0xFFFFFF80  }
0x64: {  	_ =	swait.ge [sflag:s25], $0x4000  }
0x65: {  	[sflag:s25] =	ssyncset.done $0x0  }
0x66: {  	[sflag:s25] =	ssyncadd.s32 $0xFFFFC000  }
0x67: {  	[spmem:s2] =	stream.indirect.scatter.add.f32 [tilespmem:s22], [sflag:$0x5], $0x80, s19, s21, $0xb8;
	[tilespmem:$0x1F180] =	vst v63  }
0x68: {  	_ =	swait.ge [sflag:s18], $0x4000  }
0x69: {  	[sflag:s18] =	ssyncset.done $0x0  }
0x6a: {  	[sflag:s18] =	ssyncadd.s32 $0xFFFFC000  }
0x6b: {  	_ =	swait.ge [sflag:s26], $0x80  }
0x6c: {  	[sflag:s26] =	ssyncset.done $0x0  }
0x6d: {  	[sflag:s26] =	ssyncadd.s32 $0xFFFFFF80  }
0x6e: {  	_ =	swait.ge [sflag:s28], $0x4000  }
0x6f: {  	[sflag:s28] =	ssyncset.done $0x0  }
0x70: {  	[sflag:s28] =	ssyncadd.s32 $0xFFFFC000  }
0x71: {  	[spmem:s2] =	stream.indirect.scatter.add.f32 [tilespmem:s23], [sflag:$0x5], $0x80, s20, s21, $0xb8;
	[tilespmem:$0x1F180] =	vst v63  }
0x72: {  	_ =	swait.ge [sflag:s18], $0x4000  }
0x73: {  	[sflag:s18] =	ssyncset.done $0x0  }
0x74: {  	[sflag:s18] =	ssyncadd.s32 $0xFFFFC000  }
0x75: {  	s5 =	simm.s32 @p0 $0x1FC5;
	[bflag:$0x0] =	sbarrier.arrive $0xFFFF  }
0x76: {  	[hbm:s13], [sflag:s5] =	dma.local @p0 [spmem:s31], $0x2A00  }
0x77: {  	s5 =	simm.s32 @p0 $0x5  }
0x78: {  	_ =	swait.ge @p0 [sflag:s5], $0x2A00  }
0x79: {  	s30 =	sadd.s32 $0x1, s30;
	[sflag:s5] =	ssyncset.done @p0 $0x0  }
0x7a: {  	p1 =	sne.s32 s30, s14;
	[sflag:s5] =	ssyncadd.s32 @p0 $0xFFFFD600  }
0x7b: {  	[hbm:s12], [sflag:s0] =	dma.local @!p0 [spmem:s1], $0x2900  }
.Ltmp1:
0x7c: {  	_ = 	snop;
	(pc) =	sbr.rel @p1 .LBB2_1-.Ltmp1, $4  }
0x7d: {  	s0 =	simm.s32 @!p0 $0x5  }
0x7e: {  	_ =	swait.ge @!p0 [sflag:s0], $0x2900  }
0x7f: {  	[sflag:s0] =	ssyncset.done @!p0 $0x0  }
0x80: {  	[sflag:s0] =	ssyncadd.s32 @!p0 $0xFFFFD700  }
0x81: {  	_ =	sfence.sel $0x180000  }
0x82: {  	[bflag:$0x0] =	sbarrier.arrive $0xFFFF  }
0x83: {  	_ =	strace $0x9000004D  }
0x84: {  	s0 =	stileid.u32;
	[bflag:$0x2] =	sbarrier.arrive $0xFFFF  }
0x85: {  	p0 =	sne.s32 s0, $0x0;
	s0 =	rddreg [dreg:$0x2]  }
0x86: {  	s0 =	sadd.s32 @!p0 $0x100000, s0  }
0x87: {  	[sflag:s0] =	ssyncadd.tile.s32 @!p0 $0x1;
	_ =	shalt  }
.Lfunc_end2:
_tile_overlayer_lowered:
.L_overlay_start_2:
0x88: {  	(tag) =	ssettag $0x2  }
0x89: {  	s0 =	rddreg [dreg:$0x0];
	s2 =	stileid.u32  }
0x8a: {  	s1 =	rddreg [dreg:$0x1];
	p0 =	sne.s32 s2, $0x0  }
0x8b: {  	s3 =	rddreg [dreg:$0x2];
	[bflag:$0x3] =	sbarrier.arrive $0xFFFF;
	s2 =	simm.s32 @!p0 $0x1C05  }
0x8c: {  	[timem:s3], [sflag:s2] =	dma.local @!p0 [hbm:s0], s1  }
0x8d: {  	s0 =	simm.s32 @!p0 $0x5  }
0x8e: {  	_ =	swait.ge @!p0 [sflag:s0], s1  }
0x8f: {  	s1 =	ssub.s32 @!p0 $0x0, s1;
	[sflag:s0] =	ssyncset.done @!p0 $0x0  }
0x90: {  	[sflag:s0] =	ssyncadd.s32 @!p0 s1  }
0x91: {  	[bflag:$0x3] =	sbarrier.arrive $0xFFFF  }
0x92: {  	_ =	shalt  }

// kernel: kernel.8.cloned.1.call-start
scs
__scs_entry_jumppad:
0x0: {  	(pc) =	sbr.rel $0x88, $3  }
0x1: {  	(tag) =	ssettag $0x0;
	lr =	simm.s32 $0x1  }
0x2: {  	[smem:$0x3F9B] =	sst lr;
	_ =	strace $0xD0000000  }
0x3: {  	_ = 	snop  }
0x4: {  	_ = 	snop  }
0x5: {  	_ = 	snop  }
0x6: {  	_ = 	snop  }
0x7: {  	_ = 	snop  }
__scs_overlays_trampoline_lowered:
0x8: {  	[smem:$0x3FAA] =	sst s0  }
0x9: {  	[smem:$0x3FAB] =	sst s1  }
0xa: {  	[smem:$0x3FAC] =	sst s2  }
0xb: {  	[smem:$0x3FAD] =	sst s3  }
0xc: {  	[smem:$0x3FAE] =	sst s4  }
0xd: {  	[smem:$0x3FAF] =	sst s5  }
0xe: {  	[smem:$0x3FB0] =	sst s6  }
0xf: {  	[smem:$0x3FB1] =	sst s7  }
0x10: {  	[smem:$0x3FB2] =	sst s8  }
0x11: {  	[smem:$0x3FB3] =	sst s9;
	s0 =	simm.s32 @!p0 $0x0  }
0x12: {  	s1 =	sld [smem:$0x3F99];
	s0 =	simm.s32 @p0 $0x1  }
0x13: {  	[smem:$0x3FB4] =	sst s0;
	s0 =	simm.s32 @!p1 $0x0  }
0x14: {  	s2 =	sld [smem:$0x3F98];
	s0 =	simm.s32 @p1 $0x1  }
0x15: {  	[smem:$0x3FB5] =	sst s0;
	s0 =	simm.s32 @!p2 $0x0  }
0x16: {  	s3 =	sld [smem:$0x3FDB];
	s0 =	simm.s32 @p2 $0x1  }
0x17: {  	s4 =	simm.s32 $0x1BF5;
	[smem:$0x3FB7] =	sst s0  }
0x18: {  	s0 =	sld [smem:$0x3F9A];
	_ =	swait.ge [sflag:s4], $0x0  }
0x19: {  	s7 =	sld [smem:$0x3F9B]  }
0x1a: {  	s8 =	sadd.s32 $0xFFFFE003, lr  }
0x1b: {  	s9 =	sadd.s32 $0xFFFFFEF7, lr;
	s5 =	simm.s32 $0xFFFFFFFF;
	p2 =	slt.u32 s8, $0xFFFFF086  }
0x1c: {  	p1 =	slt.u32 s9, $0xF7A;
	s5 =	simm.s32 @!p2 $0x0  }
0x1d: {  	s5 =	simm.s32 @p1 $0x1;
	p0 =	seq.s32 s7, s2  }
0x1e: {  	s7 =	smul.u32 @!p0 $0xF7A, s2;
	p2 =	seq.s32 @!p0 s5, $0x0  }
0x1f: {  	s9 =	smul.u32 $0xF7A, s1;
	s8 =	simm.s32 @!p0 $0x1BF5;
	p2 =	por !p2, p0  }
0x20: {  	[sflag:s8] =	ssyncset.s32 @!p0 $0xFFFFF086;
	s6 =	sadd.s32 @!p0 s3, s7;
	s7 =	simm.s32 @!p0 $0x108  }
0x21: {  	s3 =	sadd.s32 s3, s9;
	s6 =	sadd.s32 @!p0 $0x88, s6;
	s7 =	simm.s32 @p2 $0x1082  }
0x22: {  	[simem:s7], [sflag:s8] =	dma.local @!p0 [hbm:s6], $0xF7A  }
0x23: {  	s9 =	sor.u32 $0xD0000000, s2;
	s6 =	simm.s32 $0x108;
	_ =	swait.ge @!p0 [sflag:s8], $0x0  }
0x24: {  	s3 =	sadd.s32 $0x88, s3;
	s6 =	simm.s32 @!p1 $0x1082;
	[sflag:s4] =	ssyncset.s32 $0xFFFFF086  }
0x25: {  	[simem:s6], [sflag:s4] =	dma.local [hbm:s3], $0xF7A  }
0x26: {  	[smem:$0x3F9B] =	sst s1;
	(tag) =	ssettag s2;
	_ =	strace s9  }
0x27: {  	s1 =	sld [smem:$0x3FAB]  }
0x28: {  	s2 =	sld [smem:$0x3FAC]  }
0x29: {  	s4 =	sld [smem:$0x3FAE]  }
0x2a: {  	p0 =	seq.s32 s5, $0x0;
	s5 =	sld [smem:$0x3FAF]  }
0x2b: {  	s6 =	sld [smem:$0x3FB0]  }
0x2c: {  	s7 =	sld [smem:$0x3FB1]  }
0x2d: {  	s3 =	simm.s32 $0x108;
	s8 =	sld [smem:$0x3FB2]  }
0x2e: {  	s3 =	simm.s32 @!p0 $0x1082;
	s9 =	sld [smem:$0x3FB3]  }
0x2f: {  	lr =	sadd.s32 s0, s3;
	s0 =	sld [smem:$0x3FAA]  }
0x30: {  	s3 =	sld [smem:$0x3FAD]  }
0x31: {  	[smem:$0x3FB6] =	sst s10  }
0x32: {  	s10 =	sld [smem:$0x3FB4];
	_ =	sdelay $0x3  }
0x33: {  	p0 =	seq.s32 s10, $0x1;
	s10 =	sld [smem:$0x3FB6];
	_ =	sdelay $0x3  }
0x34: {  	[smem:$0x3FB6] =	sst s10  }
0x35: {  	s10 =	sld [smem:$0x3FB5];
	_ =	sdelay $0x3  }
0x36: {  	p1 =	seq.s32 s10, $0x1;
	s10 =	sld [smem:$0x3FB6];
	_ =	sdelay $0x3  }
0x37: {  	[smem:$0x3FB6] =	sst s10  }
0x38: {  	s10 =	sld [smem:$0x3FB7]  }
0x39: {  	_ = 	snop;
	(pc) =	sbr.ind lr, $3  }
0x3a: {  	_ = 	snop  }
0x3b: {  	_ = 	snop  }
0x3c: {  	p2 =	seq.s32 s10, $0x1;
	s10 =	sld [smem:$0x3FB6]  }
0x3d: {  	_ =	shalt  }
0x3e: {  	_ =	shalt  }
0x3f: {  	_ =	shalt  }
0x40: {  	_ =	shalt  }
0x41: {  	_ =	shalt  }
0x42: {  	_ =	shalt  }
0x43: {  	_ =	shalt  }
0x44: {  	_ =	shalt  }
0x45: {  	_ =	shalt  }
0x46: {  	_ =	shalt  }
0x47: {  	_ =	shalt  }
0x48: {  	_ =	shalt  }
0x49: {  	_ =	shalt  }
0x4a: {  	_ =	shalt  }
0x4b: {  	_ =	shalt  }
0x4c: {  	_ =	shalt  }
0x4d: {  	_ =	shalt  }
0x4e: {  	_ =	shalt  }
0x4f: {  	_ =	shalt  }
0x50: {  	_ =	shalt  }
0x51: {  	_ =	shalt  }
0x52: {  	_ =	shalt  }
0x53: {  	_ =	shalt  }
0x54: {  	_ =	shalt  }
0x55: {  	_ =	shalt  }
0x56: {  	_ =	shalt  }
0x57: {  	_ =	shalt  }
0x58: {  	_ =	shalt  }
0x59: {  	_ =	shalt  }
0x5a: {  	_ =	shalt  }
0x5b: {  	_ =	shalt  }
0x5c: {  	_ =	shalt  }
0x5d: {  	_ =	shalt  }
0x5e: {  	_ =	shalt  }
0x5f: {  	_ =	shalt  }
0x60: {  	_ =	shalt  }
0x61: {  	_ =	shalt  }
0x62: {  	_ =	shalt  }
0x63: {  	_ =	shalt  }
0x64: {  	_ =	shalt  }
0x65: {  	_ =	shalt  }
0x66: {  	_ =	shalt  }
0x67: {  	_ =	shalt  }
0x68: {  	_ =	shalt  }
0x69: {  	_ =	shalt  }
0x6a: {  	_ =	shalt  }
0x6b: {  	_ =	shalt  }
0x6c: {  	_ =	shalt  }
0x6d: {  	_ =	shalt  }
0x6e: {  	_ =	shalt  }
0x6f: {  	_ =	shalt  }
0x70: {  	_ =	shalt  }
0x71: {  	_ =	shalt  }
0x72: {  	_ =	shalt  }
0x73: {  	_ =	shalt  }
0x74: {  	_ =	shalt  }
0x75: {  	_ =	shalt  }
0x76: {  	_ =	shalt  }
0x77: {  	_ =	shalt  }
0x78: {  	_ =	shalt  }
0x79: {  	_ =	shalt  }
0x7a: {  	_ =	shalt  }
0x7b: {  	_ =	shalt  }
0x7c: {  	_ =	shalt  }
0x7d: {  	_ =	shalt  }
0x7e: {  	_ =	shalt  }
0x7f: {  	_ =	shalt  }
0x80: {  	_ =	shalt  }
0x81: {  	_ =	shalt  }
0x82: {  	_ =	shalt  }
0x83: {  	_ =	shalt  }
0x84: {  	_ =	shalt  }
0x85: {  	_ =	shalt  }
0x86: {  	_ =	shalt  }
0x87: {  	_ =	shalt  }
.Lfunc_end0:
.L_simem_size_0:
called_computation_lowered:
.L_overlay_start_0:
0x88: {  	s2 =	sld [smem:$0x3FD9]  }
0x89: {  	s3 =	sld [smem:$0x3FFE];
	_ =	sdelay $0x1  }
0x8a: {  	s1 =	srdreg.scid  }
0x8b: {  	s0 =	sand.u32 $0x1, s1  }
0x8c: {  	s17 =	sshll.u32 s0, $0xA;
	s2 =	sadd.s32 s3, s2  }
0x8d: {  	s2 =	sadd.s32 s2, s17  }
0x8e: {  	[smem:$0x3FC2] =	sst s2  }
0x8f: {  	_ = 	snop  }
0x90: {  	s2 =	sld [smem:$0x3FD0];
	(tm) =	ssettm $0x1  }
0x91: {  	s18 =	sld [smem:$0x3FFB];
	_ =	sdelay $0x3  }
0x92: {  	_ =	strace s18  }
0x93: {  	s3 =	sld [smem:$0x3FFC];
	_ =	sdelay $0x3  }
0x94: {  	_ =	strace s3  }
0x95: {  	s3 =	sld [smem:$0x3FFD];
	_ =	sdelay $0x3  }
0x96: {  	_ =	strace s3  }
0x97: {  	_ =	strace $0x8FFFFFFF  }
0x98: {  	s19 =	sld [smem:$0x3FDB];
	_ =	sdelay $0x1  }
0x99: {  	s4 =	simm.s32 $_scs_section_size  }
0x9a: {  	s5 =	simm.s32 $_size__tile_overlayer_lowered;
	s6 =	simm.s32 $_tile_overlayer_lowered  }
0x9b: {  	s22 =	simm.s32 $0x1BFF;
	s21 =	sshll.u32 s6, $0x1;
	s3 =	sadd.s32 s4, s19  }
0x9c: {  	s7 =	simm.s32 $0x0;
	s20 =	sshll.u32 s5, $0x1;
	s5 =	sadd.s32 s21, s3  }
0x9d: {  	[timem:s7], [sflag:s22] =	dma.local [hbm:s5], s20  }
0x9e: {  	_ =	swait.ge [sflag:s22], s20  }
0x9f: {  	s4 =	ssub.s32 $0x0, s20;
	[sflag:s22] =	ssyncset.done $0x0  }
0xa0: {  	[sflag:s22] =	ssyncadd.s32 s4;
	_ =	sdelay $0x1  }
0xa1: {  	s23 =	simm.s32 $0x1B8B  }
0xa2: {  	_ =	swait.ge [sflag:s23], $0x1  }
0xa3: {  	[sflag:s23] =	ssyncset.done $0x0  }
0xa4: {  	s25 =	simm.s32 $0x1B8E;
	s24 =	sld [smem:$0x3FFE];
	[sflag:s23] =	ssyncadd.s32 $0xFFFFFFFF  }
0xa5: {  	s26 =	simm.s32 $execute0_lowered;
	[smem:$0x3FD2] =	sst s25  }
0xa6: {  	s5 =	sshll.u32 s26, $0x1;
	_ =	strace $0x80000046;
	[dreg:$0x1] =	wrdreg $0xFFFFFFFF  }
0xa7: {  	s28 =	simm.s32 $_size_execute0_lowered;
	s3 =	sadd.s32 s3, s5;
	[dreg:$0x0] =	wrdreg $0x0  }
0xa8: {  	s5 =	sshll.u32 s28, $0x1;
	[dreg:$0x2] =	wrdreg s3  }
0xa9: {  	[dreg:$0x3] =	wrdreg s5  }
0xaa: {  	[dreg:$0x4] =	wrdreg $0xC0  }
0xab: {  	_ =	task [dreg:s7], $0x5FFFF  }
0xac: {  	[dreg:$0x1] =	wrdreg $0xFFFFFFFF  }
0xad: {  	[dreg:$0x0] =	wrdreg $0x60  }
0xae: {  	[dreg:$0x2] =	wrdreg s2  }
0xaf: {  	[dreg:$0x3] =	wrdreg s24  }
0xb0: {  	[dreg:$0x4] =	wrdreg $0x0  }
0xb1: {  	[dreg:$0x5] =	wrdreg $0x9  }
0xb2: {  	_ =	task.clear_ibuf [dreg:s7], $0x6FFFF;
	_ =	strace $0x90000046  }
0xb3: {  	s29 =	simm.s32 $0x9;
	_ =	strace $0x80000048  }
0xb4: {  	_ =	swait.ge [sflag:s29], $0x1  }
0xb5: {  	[sflag:s29] =	ssyncadd.s32 $0xFFFFFFFF  }
0xb6: {  	_ =	strace $0x90000048  }
0xb7: {  	_ =	sfence  }
0xb8: {  	s30 =	sld [smem:$0x0];
	_ =	sdelay $0x2  }
0xb9: {  	s31 =	sshll.u32 s1, $0xD;
	s1 =	sshrl.u32 s1, $0x2  }
0xba: {  	s3 =	sand.u32 $0x4000, s31;
	s1 =	sadd.s32 s1, s30  }
0xbb: {  	s0 =	sor.u32 s3, s0;
	s1 =	sshll.u32 s1, $0x11  }
0xbc: {  	s0 =	sor.u32 s1, s0  }
0xbd: {  	s0 =	sadd.s32 $0x8F2B, s0  }
0xbe: {  	[sflag:s0] =	ssyncadd.remote.s32 $0x1  }
0xbf: {  	_ =	sfence.sel $0xFFFF  }
0xc0: {  	[dreg:$0x0] =	wrdreg $0xFFFFFFFF;
	(pc) =	sbr.abs _section_cstart, $3  }
0xc1: {  	[dreg:$0x1] =	wrdreg $0xFFFFFFFF  }
0xc2: {  	_ =	task.clear_ibuf [dreg:s7], $0x2FFFF;
	_ =	strace $0x9FFFFFFF  }
0xc3: {  	(tm) =	ssettm $0x7FFFFFFF  }
tec
execute0_lowered:
.L_overlay_start_1:
0x0: {  	(tag) =	ssettag $0x1  }
0x1: {  	s0 =	rddreg [dreg:$0x0]  }
0x2: {  	s1 =	rddreg [dreg:$0x1]  }
0x3: {  	s2 =	rddreg [dreg:$0x2];
	s3 =	simm.s32 $0x0  }
0x4: {  	s11 =	stileid.u32;
	s5 =	srdreg.scid;
	s28 =	simm.s32 $0x728  }
0x5: {  	s29 =	simm.s32 $0x7A8;
	s30 =	simm.s32 $0x828;
	s31 =	simm.s32 $0x8A8  }
0x6: {  	[smem:$0x7FF] =	sst s3;
	s4 =	smul.u32 $0x520, s11;
	s6 =	sadd.s32 $0x16000, s1  }
0x7: {  	s5 =	sand.u32 $0x1, s5;
	s10 =	sadd.s32 $0x16E00, s1;
	s17 =	sadd.s32 $0x4CE0, s2  }
0x8: {  	s23 =	smul.u32 $0x5000, s11;
	p0 =	seq.s32 s11, $0xF;
	_ =	strace $0x80000047  }
0x9: {  	[dreg:$0xc] =	wrdreg s6;
	s7 =	ssub.s32 $0x2, s5;
	s20 =	smul.u32 $0x5220, s5  }
0xa: {  	s8 =	sshll.u32 s5, $0x4;
	s5 =	smul.u32 $0x50000, s5;
	[dreg:$0x10] =	wrdreg s17  }
0xb: {  	s19 =	sshrl.u32 s4, $0x3;
	s9 =	sshrl.u32 s7, $0x1;
	s8 =	sor.u32 s11, s8  }
0xc: {  	s14 =	sadd.s32 s4, s2;
	s11 =	simm.s32 $0x6;
	s6 =	sadd.s32 s19, s1  }
0xd: {  	s7 =	ssub.s32 s7, s9;
	s8 =	smul.u32 $0x5000, s8;
	s1 =	sadd.s32 $0x16B9C, s1  }
0xe: {  	s4 =	sadd.s32 s4, s20;
	s26 =	sshrl.u32 s20, $0x3;
	[dreg:$0xe] =	wrdreg s14  }
0xf: {  	s9 =	simm.s32 $0x0;
	s6 =	sadd.s32 $0x16200, s6;
	[dreg:$0xf] =	wrdreg s1  }
0x10: {  	s4 =	sshrl.u32 s4, $0x3;
	s1 =	sadd.s32 s23, s5;
	[dreg:$0xd] =	wrdreg s6  }
0x11: {  	s21 =	sshrl.u32 s8, $0x3;
	s4 =	sadd.s32 s10, s4;
	s5 =	sor.u32 $0x580, s1  }
0x12: {  	s13 =	sor.u32 $0x480, s1;
	s16 =	sor.u32 $0x400, s1;
	s18 =	sor.u32 $0x380, s1  }
0x13: {  	s22 =	sadd.s32 s0, s21;
	[dreg:$0x15] =	wrdreg s4;
	s4 =	sadd.s32 s10, s26  }
0x14: {  	s5 =	sshrl.u32 s5, $0x3;
	s15 =	sshrl.u32 s13, $0x3;
	s20 =	sshrl.u32 s18, $0x3  }
0x15: {  	s26 =	smax.u32 s7, $0x1;
	s18 =	simm.s32 $0x528;
	s7 =	simm.s32 $0x10  }
0x16: {  	s13 =	simm.s32 $0x8;
	s24 =	sadd.s32 $0x10, s22;
	[dreg:$0x11] =	wrdreg s22  }
0x17: {  	s25 =	sadd.s32 $0x20, s22;
	s6 =	sadd.s32 $0x30, s22;
	[dreg:$0x17] =	wrdreg s26  }
0x18: {  	s4 =	sadd.s32 $0x99C, s4;
	s8 =	sadd.s32 s5, s0;
	[dreg:$0x12] =	wrdreg s24  }
0x19: {  	s5 =	sshrl.u32 s16, $0x3;
	s21 =	sadd.s32 s20, s0;
	[dreg:$0x13] =	wrdreg s25  }
0x1a: {  	s22 =	sor.u32 $0x300, s1;
	s16 =	simm.s32 $0x928;
	[dreg:$0x14] =	wrdreg s6  }
0x1b: {  	s20 =	simm.s32 $0x628;
	s26 =	simm.s32 $0xC;
	[dreg:$0x16] =	wrdreg s4  }
0x1c: {  	s6 =	sor.u32 $0x500, s1;
	[dreg:$0x4] =	wrdreg s8;
	s4 =	sadd.s32 s15, s0  }
0x1d: {  	s19 =	sadd.s32 s5, s0;
	[dreg:$0x8] =	wrdreg s21;
	s23 =	sshrl.u32 s22, $0x3  }
0x1e: {  	s24 =	sor.u32 $0x280, s1;
	s1 =	sor.u32 $0x200, s1;
	s21 =	simm.s32 $0x6A8  }
0x1f: {  	s22 =	simm.s32 $0x9;
	s10 =	sshrl.u32 s6, $0x3;
	[dreg:$0x6] =	wrdreg s4  }
0x20: {  	[dreg:$0x7] =	wrdreg s19;
	s4 =	sadd.s32 s23, s0;
	s5 =	sshrl.u32 s24, $0x3  }
0x21: {  	s1 =	sshrl.u32 s1, $0x3;
	s19 =	simm.s32 $0x5A8;
	s23 =	simm.s32 $0x80  }
0x22: {  	s24 =	simm.s32 $0xA;
	s12 =	sadd.s32 s10, s0;
	[dreg:$0x9] =	wrdreg s4  }
0x23: {  	s25 =	sadd.s32 s5, s0;
	s0 =	sadd.s32 s1, s0;
	[dreg:$0x5] =	wrdreg s12  }
0x24: {  	s1 =	simm.s32 $0xD;
	s4 =	simm.s32 $0xE;
	[dreg:$0xa] =	wrdreg s25  }
0x25: {  	s5 =	simm.s32 $0xF;
	s10 =	simm.s32 $0x5;
	[dreg:$0xb] =	wrdreg s0  }
0x26: {  	s25 =	simm.s32 $0xB;
	s0 =	simm.s32 $0x1;
	s12 =	simm.s32 $0x7  }
.LBB2_1:
0x27: {  	[dreg:$0x18] =	wrdreg s9  }
0x28: {  	s6 =	rddreg [dreg:$0xc];
	s8 =	simm.s32 $0x11  }
0x29: {  	[tilespmem:s16], [sflag:$0x11] =	stream.linear.gather [hbm4b:s6+s3], $0x80, $0x38;
	[tilespmem:$0xF28] =	vst v63  }
0x2a: {  	_ =	swait.ge [sflag:s8], $0x80  }
0x2b: {  	s9 =	simm.s32 @p0 $0x0;
	[sflag:s8] =	ssyncset.done $0x0  }
0x2c: {  	s15 =	simm.s32 @p0 $0x9A8;
	s6 =	rddreg [dreg:$0xf];
	[sflag:s8] =	ssyncadd.s32 $0xFFFFFF80  }
0x2d: {  	[tilespmem:s15], [sflag:$0x11] =	stream.linear.gather @p0 [hbm4b:s6+s9], $0x540, $0x38;
	[tilespmem:$0xF28] =	vst v63  }
0x2e: {  	s9 =	simm.s32 @p0 $0x11  }
0x2f: {  	_ =	swait.ge @p0 [sflag:s9], $0x540  }
0x30: {  	[sflag:s9] =	ssyncset.done @p0 $0x0  }
0x31: {  	[sflag:s9] =	ssyncadd.s32 @p0 $0xFFFFFAC0  }
0x32: {  	[spmem:s17] =	stream.linear.scatter @p0 [tilespmem:s15], [sflag:$0x11], $0x540, $0x38;
	[tilespmem:$0xF28] =	vst v63  }
0x33: {  	_ =	swait.ge @p0 [sflag:s9], $0x540  }
0x34: {  	s15 =	simm.s32 @!p0 $0x9A8;
	[sflag:s9] =	ssyncset.done @p0 $0x0  }
0x35: {  	s6 =	rddreg [dreg:$0xd];
	[sflag:s9] =	ssyncadd.s32 @p0 $0xFFFFFAC0;
	s9 =	simm.s32 @!p0 $0x0  }
0x36: {  	[tilespmem:s15], [sflag:$0x11] =	stream.linear.gather @!p0 [hbm4b:s6+s9], $0x520, $0x38;
	[tilespmem:$0xF28] =	vst v63  }
0x37: {  	s9 =	simm.s32 @!p0 $0x11  }
0x38: {  	_ =	swait.ge @!p0 [sflag:s9], $0x520  }
0x39: {  	[sflag:s9] =	ssyncset.done @!p0 $0x0  }
0x3a: {  	[sflag:s9] =	ssyncadd.s32 @!p0 $0xFFFFFAE0  }
0x3b: {  	[spmem:s14] =	stream.linear.scatter @!p0 [tilespmem:s15], [sflag:$0x11], $0x520, $0x38;
	[tilespmem:$0xF28] =	vst v63  }
0x3c: {  	_ =	swait.ge @!p0 [sflag:s9], $0x520  }
0x3d: {  	[sflag:s9] =	ssyncset.done @!p0 $0x0  }
0x3e: {  	[sflag:s9] =	ssyncadd.s32 @!p0 $0xFFFFFAE0  }
0x3f: {  	[bflag:$0x0] =	sbarrier.arrive $0xFFFF  }
0x40: {  	s9 =	rddreg [dreg:$0x11]  }
0x41: {  	[tilespmem:s18], [sflag:$0x9] =	stream.linear.gather [hbm4b:s9+s3], $0x80, $0x38;
	[tilespmem:$0xF28] =	vst v63  }
0x42: {  	s14 =	rddreg [dreg:$0x12]  }
0x43: {  	[tilespmem:s19], [sflag:$0xA] =	stream.linear.gather [hbm4b:s14+s3], $0x80, $0x38;
	[tilespmem:$0xF28] =	vst v63  }
0x44: {  	s15 =	rddreg [dreg:$0x13]  }
0x45: {  	[tilespmem:s20], [sflag:$0xB] =	stream.linear.gather [hbm4b:s15+s3], $0x80, $0x38;
	[tilespmem:$0xF28] =	vst v63  }
0x46: {  	s17 =	rddreg [dreg:$0x14]  }
0x47: {  	[tilespmem:s21], [sflag:$0xC] =	stream.linear.gather [hbm4b:s17+s3], $0x80, $0x38;
	[tilespmem:$0xF28] =	vst v63  }
0x48: {  	_ =	swait.ge [sflag:s22], $0x80  }
0x49: {  	[sflag:s22] =	ssyncset.done $0x0  }
0x4a: {  	[sflag:s22] =	ssyncadd.s32 $0xFFFFFF80  }
0x4b: {  	[spmem:s2] =	stream.indirect.scatter.add.f32 [tilespmem:s16], [sflag:$0x1], $0x1, s18, s23, $0xb8;
	[tilespmem:$0xF28] =	vst v63  }
0x4c: {  	_ =	swait.ge [sflag:s24], $0x80  }
0x4d: {  	[sflag:s24] =	ssyncset.done $0x0  }
0x4e: {  	[sflag:s24] =	ssyncadd.s32 $0xFFFFFF80  }
0x4f: {  	[spmem:s2] =	stream.indirect.scatter.add.f32 [tilespmem:s16], [sflag:$0x2], $0x1, s19, s23, $0xb8;
	[tilespmem:$0xF28] =	vst v63  }
0x50: {  	_ =	swait.ge [sflag:s25], $0x80  }
0x51: {  	[sflag:s25] =	ssyncset.done $0x0  }
0x52: {  	[sflag:s25] =	ssyncadd.s32 $0xFFFFFF80  }
0x53: {  	[spmem:s2] =	stream.indirect.scatter.add.f32 [tilespmem:s16], [sflag:$0x3], $0x1, s20, s23, $0xb8;
	[tilespmem:$0xF28] =	vst v63  }
0x54: {  	_ =	swait.ge [sflag:s26], $0x80  }
0x55: {  	[sflag:s26] =	ssyncset.done $0x0  }
0x56: {  	s6 =	rddreg [dreg:$0xb];
	[sflag:s26] =	ssyncadd.s32 $0xFFFFFF80  }
0x57: {  	[spmem:s2] =	stream.indirect.scatter.add.f32 [tilespmem:s16], [sflag:$0x4], $0x1, s21, s23, $0xb8;
	[tilespmem:$0xF28] =	vst v63  }
0x58: {  	s8 =	rddreg [dreg:$0xa];
	s9 =	sadd.s32 $0x0, s6  }
0x59: {  	[tilespmem:s28], [sflag:$0xD] =	stream.linear.gather [hbm4b:s9+s3], $0x80, $0x38;
	[tilespmem:$0xF28] =	vst v63  }
0x5a: {  	s14 =	rddreg [dreg:$0x9];
	s6 =	sadd.s32 $0x0, s8  }
0x5b: {  	[tilespmem:s29], [sflag:$0xE] =	stream.linear.gather [hbm4b:s6+s3], $0x80, $0x38;
	[tilespmem:$0xF28] =	vst v63  }
0x5c: {  	s8 =	rddreg [dreg:$0x8];
	s14 =	sadd.s32 $0x0, s14  }
0x5d: {  	[tilespmem:s30], [sflag:$0xF] =	stream.linear.gather [hbm4b:s14+s3], $0x80, $0x38;
	[tilespmem:$0xF28] =	vst v63  }
0x5e: {  	s17 =	sadd.s32 $0x0, s8  }
0x5f: {  	[tilespmem:s31], [sflag:$0x10] =	stream.linear.gather [hbm4b:s17+s3], $0x80, $0x38;
	[tilespmem:$0xF28] =	vst v63  }
0x60: {  	_ =	swait.ge [sflag:s0], $0x80  }
0x61: {  	p1 =	por $0x0, $0x0;
	[sflag:s0] =	ssyncset.done $0x0  }
0x62: {  	s9 =	simm.s32 @p1 $0x2;
	[sflag:s0] =	ssyncadd.s32 $0xFFFFFF80  }
0x63: {  	_ =	swait.ge @p1 [sflag:s9], $0x80  }
0x64: {  	[sflag:s9] =	ssyncset.done @p1 $0x0  }
0x65: {  	[sflag:s9] =	ssyncadd.s32 @p1 $0xFFFFFF80;
	s9 =	simm.s32 @p1 $0x3  }
0x66: {  	_ =	swait.ge @p1 [sflag:s9], $0x80  }
0x67: {  	[sflag:s9] =	ssyncset.done @p1 $0x0  }
0x68: {  	[sflag:s9] =	ssyncadd.s32 @p1 $0xFFFFFF80;
	s9 =	simm.s32 @p1 $0x4  }
0x69: {  	_ =	swait.ge @p1 [sflag:s9], $0x80  }
0x6a: {  	s17 =	simm.s32 @!p1 $0x528;
	s15 =	rddreg [dreg:$0x7];
	[sflag:s9] =	ssyncset.done @p1 $0x0  }
0x6b: {  	[sflag:s9] =	ssyncadd.s32 @p1 $0xFFFFFF80;
	s9 =	sadd.s32 @!p1 $0x0, s15;
	s15 =	simm.s32 @!p1 $0x0  }
0x6c: {  	[tilespmem:s17], [sflag:$0x9] =	stream.linear.gather @!p1 [hbm4b:s9+s15], $0x80, $0x38;
	[tilespmem:$0xF28] =	vst v63  }
0x6d: {  	s9 =	simm.s32 @!p1 $0x2  }
0x6e: {  	_ =	swait.ge @!p1 [sflag:s9], $0x80  }
0x6f: {  	s17 =	rddreg [dreg:$0x6];
	[sflag:s9] =	ssyncset.done @!p1 $0x0  }
0x70: {  	[sflag:s9] =	ssyncadd.s32 @!p1 $0xFFFFFF80;
	s9 =	sadd.s32 @!p1 $0x0, s17;
	s17 =	simm.s32 @!p1 $0x5A8  }
0x71: {  	[tilespmem:s17], [sflag:$0xA] =	stream.linear.gather @!p1 [hbm4b:s9+s15], $0x80, $0x38;
	[tilespmem:$0xF28] =	vst v63  }
0x72: {  	s9 =	simm.s32 @!p1 $0x3  }
0x73: {  	_ =	swait.ge @!p1 [sflag:s9], $0x80  }
0x74: {  	s17 =	rddreg [dreg:$0x5];
	[sflag:s9] =	ssyncset.done @!p1 $0x0  }
0x75: {  	[sflag:s9] =	ssyncadd.s32 @!p1 $0xFFFFFF80;
	s9 =	sadd.s32 @!p1 $0x0, s17;
	s17 =	simm.s32 @!p1 $0x628  }
0x76: {  	[tilespmem:s17], [sflag:$0xB] =	stream.linear.gather @!p1 [hbm4b:s9+s15], $0x80, $0x38;
	[tilespmem:$0xF28] =	vst v63  }
0x77: {  	s9 =	simm.s32 @!p1 $0x4  }
0x78: {  	_ =	swait.ge @!p1 [sflag:s9], $0x80  }
0x79: {  	s17 =	rddreg [dreg:$0x4];
	[sflag:s9] =	ssyncset.done @!p1 $0x0  }
0x7a: {  	[sflag:s9] =	ssyncadd.s32 @!p1 $0xFFFFFF80;
	s9 =	sadd.s32 @!p1 $0x0, s17;
	s17 =	simm.s32 @!p1 $0x6A8  }
0x7b: {  	[tilespmem:s17], [sflag:$0xC] =	stream.linear.gather @!p1 [hbm4b:s9+s15], $0x80, $0x38;
	[tilespmem:$0xF28] =	vst v63  }
0x7c: {  	_ =	swait.ge [sflag:s1], $0x80  }
0x7d: {  	[sflag:s1] =	ssyncset.done $0x0  }
0x7e: {  	[sflag:s1] =	ssyncadd.s32 $0xFFFFFF80  }
0x7f: {  	[spmem:s2] =	stream.indirect.scatter.add.f32 [tilespmem:s16], [sflag:$0x5], $0x1, s28, s23, $0xb8;
	[tilespmem:$0xF28] =	vst v63  }
0x80: {  	_ =	swait.ge [sflag:s4], $0x80  }
0x81: {  	[sflag:s4] =	ssyncset.done $0x0  }
0x82: {  	[sflag:s4] =	ssyncadd.s32 $0xFFFFFF80  }
0x83: {  	[spmem:s2] =	stream.indirect.scatter.add.f32 [tilespmem:s16], [sflag:$0x6], $0x1, s29, s23, $0xb8;
	[tilespmem:$0xF28] =	vst v63  }
0x84: {  	_ =	swait.ge [sflag:s5], $0x80  }
0x85: {  	[sflag:s5] =	ssyncset.done $0x0  }
0x86: {  	[sflag:s5] =	ssyncadd.s32 $0xFFFFFF80  }
0x87: {  	[spmem:s2] =	stream.indirect.scatter.add.f32 [tilespmem:s16], [sflag:$0x7], $0x1, s30, s23, $0xb8;
	[tilespmem:$0xF28] =	vst v63  }
0x88: {  	_ =	swait.ge [sflag:s7], $0x80  }
0x89: {  	[sflag:s7] =	ssyncset.done $0x0  }
0x8a: {  	[sflag:s7] =	ssyncadd.s32 $0xFFFFFF80  }
0x8b: {  	[spmem:s2] =	stream.indirect.scatter.add.f32 [tilespmem:s16], [sflag:$0x8], $0x1, s31, s23, $0xb8;
	[tilespmem:$0xF28] =	vst v63  }
0x8c: {  	_ =	swait.ge [sflag:s10], $0x80  }
0x8d: {  	[sflag:s10] =	ssyncset.done $0x0  }
0x8e: {  	[sflag:s10] =	ssyncadd.s32 $0xFFFFFF80  }
0x8f: {  	_ =	swait.ge [sflag:s11], $0x80  }
0x90: {  	[sflag:s11] =	ssyncset.done $0x0  }
0x91: {  	[sflag:s11] =	ssyncadd.s32 $0xFFFFFF80  }
0x92: {  	_ =	swait.ge [sflag:s12], $0x80  }
0x93: {  	[sflag:s12] =	ssyncset.done $0x0  }
0x94: {  	[sflag:s12] =	ssyncadd.s32 $0xFFFFFF80  }
0x95: {  	_ =	swait.ge [sflag:s13], $0x80  }
0x96: {  	s9 =	simm.s32 $0x80;
	[sflag:s13] =	ssyncset.done $0x0  }
.LBB2_2:
0x97: {  	[sflag:s13] =	ssyncadd.s32 $0xFFFFFF80  }
0x98: {  	_ =	swait.ge [sflag:s22], $0x80  }
0x99: {  	[sflag:s22] =	ssyncset.done $0x0  }
0x9a: {  	[sflag:s22] =	ssyncadd.s32 $0xFFFFFF80  }
0x9b: {  	[spmem:s2] =	stream.indirect.scatter.add.f32 [tilespmem:s16], [sflag:$0x1], $0x1, s18, s23, $0xb8;
	[tilespmem:$0xF28] =	vst v63  }
0x9c: {  	_ =	swait.ge [sflag:s24], $0x80  }
0x9d: {  	[sflag:s24] =	ssyncset.done $0x0  }
0x9e: {  	[sflag:s24] =	ssyncadd.s32 $0xFFFFFF80  }
0x9f: {  	[spmem:s2] =	stream.indirect.scatter.add.f32 [tilespmem:s16], [sflag:$0x2], $0x1, s19, s23, $0xb8;
	[tilespmem:$0xF28] =	vst v63  }
0xa0: {  	_ =	swait.ge [sflag:s25], $0x80  }
0xa1: {  	[sflag:s25] =	ssyncset.done $0x0  }
0xa2: {  	[sflag:s25] =	ssyncadd.s32 $0xFFFFFF80  }
0xa3: {  	[spmem:s2] =	stream.indirect.scatter.add.f32 [tilespmem:s16], [sflag:$0x3], $0x1, s20, s23, $0xb8;
	[tilespmem:$0xF28] =	vst v63  }
0xa4: {  	_ =	swait.ge [sflag:s26], $0x80  }
0xa5: {  	[sflag:s26] =	ssyncset.done $0x0  }
0xa6: {  	s15 =	smov.u32 s9;
	s17 =	rddreg [dreg:$0xb];
	[sflag:s26] =	ssyncadd.s32 $0xFFFFFF80  }
0xa7: {  	[spmem:s2] =	stream.indirect.scatter.add.f32 [tilespmem:s16], [sflag:$0x4], $0x1, s21, s23, $0xb8;
	[tilespmem:$0xF28] =	vst v63  }
0xa8: {  	s6 =	rddreg [dreg:$0xa];
	s17 =	sadd.s32 s15, s17  }
0xa9: {  	[tilespmem:s28], [sflag:$0xD] =	stream.linear.gather [hbm4b:s17+s3], $0x80, $0x38;
	[tilespmem:$0xF28] =	vst v63  }
0xaa: {  	s8 =	rddreg [dreg:$0x9];
	s6 =	sadd.s32 s15, s6  }
0xab: {  	[tilespmem:s29], [sflag:$0xE] =	stream.linear.gather [hbm4b:s6+s3], $0x80, $0x38;
	[tilespmem:$0xF28] =	vst v63  }
0xac: {  	s14 =	sadd.s32 s15, s8;
	s17 =	rddreg [dreg:$0x8]  }
0xad: {  	[tilespmem:s30], [sflag:$0xF] =	stream.linear.gather [hbm4b:s14+s3], $0x80, $0x38;
	[tilespmem:$0xF28] =	vst v63  }
0xae: {  	s17 =	sadd.s32 s15, s17  }
0xaf: {  	[tilespmem:s31], [sflag:$0x10] =	stream.linear.gather [hbm4b:s17+s3], $0x80, $0x38;
	[tilespmem:$0xF28] =	vst v63  }
0xb0: {  	_ =	swait.ge [sflag:s0], $0x80  }
0xb1: {  	p2 =	seq.s32 s15, $0x980;
	[sflag:s0] =	ssyncset.done $0x0  }
0xb2: {  	s6 =	simm.s32 @p2 $0x2;
	[sflag:s0] =	ssyncadd.s32 $0xFFFFFF80  }
0xb3: {  	_ =	swait.ge @p2 [sflag:s6], $0x80  }
0xb4: {  	[sflag:s6] =	ssyncset.done @p2 $0x0  }
0xb5: {  	[sflag:s6] =	ssyncadd.s32 @p2 $0xFFFFFF80;
	s6 =	simm.s32 @p2 $0x3  }
0xb6: {  	_ =	swait.ge @p2 [sflag:s6], $0x80  }
0xb7: {  	[sflag:s6] =	ssyncset.done @p2 $0x0  }
0xb8: {  	[sflag:s6] =	ssyncadd.s32 @p2 $0xFFFFFF80;
	s6 =	simm.s32 @p2 $0x4  }
0xb9: {  	s14 =	simm.s32 @!p2 $0x2;
	_ =	swait.ge @p2 [sflag:s6], $0x80  }
0xba: {  	s17 =	simm.s32 @!p2 $0x528;
	s8 =	rddreg [dreg:$0x7];
	[sflag:s6] =	ssyncset.done @p2 $0x0  }
0xbb: {  	[sflag:s6] =	ssyncadd.s32 @p2 $0xFFFFFF80;
	s6 =	sadd.s32 @!p2 s15, s8;
	s8 =	simm.s32 @!p2 $0x0  }
0xbc: {  	[tilespmem:s17], [sflag:$0x9] =	stream.linear.gather @!p2 [hbm4b:s6+s8], $0x80, $0x38;
	[tilespmem:$0xF28] =	vst v63  }
0xbd: {  	_ =	swait.ge @!p2 [sflag:s14], $0x80  }
0xbe: {  	s17 =	simm.s32 @!p2 $0x3;
	s6 =	rddreg [dreg:$0x6];
	[sflag:s14] =	ssyncset.done @!p2 $0x0  }
0xbf: {  	[sflag:s14] =	ssyncadd.s32 @!p2 $0xFFFFFF80;
	s6 =	sadd.s32 @!p2 s15, s6;
	s14 =	simm.s32 @!p2 $0x5A8  }
0xc0: {  	[tilespmem:s14], [sflag:$0xA] =	stream.linear.gather @!p2 [hbm4b:s6+s8], $0x80, $0x38;
	[tilespmem:$0xF28] =	vst v63  }
0xc1: {  	_ =	swait.ge @!p2 [sflag:s17], $0x80  }
0xc2: {  	s14 =	simm.s32 @!p2 $0x4;
	s6 =	rddreg [dreg:$0x5];
	[sflag:s17] =	ssyncset.done @!p2 $0x0  }
0xc3: {  	[sflag:s17] =	ssyncadd.s32 @!p2 $0xFFFFFF80;
	s6 =	sadd.s32 @!p2 s15, s6;
	s17 =	simm.s32 @!p2 $0x628  }
0xc4: {  	[tilespmem:s17], [sflag:$0xB] =	stream.linear.gather @!p2 [hbm4b:s6+s8], $0x80, $0x38;
	[tilespmem:$0xF28] =	vst v63  }
0xc5: {  	_ =	swait.ge @!p2 [sflag:s14], $0x80  }
0xc6: {  	s6 =	rddreg [dreg:$0x4];
	[sflag:s14] =	ssyncset.done @!p2 $0x0  }
0xc7: {  	[sflag:s14] =	ssyncadd.s32 @!p2 $0xFFFFFF80;
	s6 =	sadd.s32 @!p2 s15, s6;
	s14 =	simm.s32 @!p2 $0x6A8  }
0xc8: {  	[tilespmem:s14], [sflag:$0xC] =	stream.linear.gather @!p2 [hbm4b:s6+s8], $0x80, $0x38;
	[tilespmem:$0xF28] =	vst v63  }
0xc9: {  	_ =	swait.ge [sflag:s1], $0x80  }
0xca: {  	[sflag:s1] =	ssyncset.done $0x0  }
0xcb: {  	[sflag:s1] =	ssyncadd.s32 $0xFFFFFF80  }
0xcc: {  	[spmem:s2] =	stream.indirect.scatter.add.f32 [tilespmem:s16], [sflag:$0x5], $0x1, s28, s23, $0xb8;
	[tilespmem:$0xF28] =	vst v63  }
0xcd: {  	_ =	swait.ge [sflag:s4], $0x80  }
0xce: {  	[sflag:s4] =	ssyncset.done $0x0  }
0xcf: {  	[sflag:s4] =	ssyncadd.s32 $0xFFFFFF80  }
0xd0: {  	[spmem:s2] =	stream.indirect.scatter.add.f32 [tilespmem:s16], [sflag:$0x6], $0x1, s29, s23, $0xb8;
	[tilespmem:$0xF28] =	vst v63  }
0xd1: {  	_ =	swait.ge [sflag:s5], $0x80  }
0xd2: {  	[sflag:s5] =	ssyncset.done $0x0  }
0xd3: {  	[sflag:s5] =	ssyncadd.s32 $0xFFFFFF80  }
0xd4: {  	[spmem:s2] =	stream.indirect.scatter.add.f32 [tilespmem:s16], [sflag:$0x7], $0x1, s30, s23, $0xb8;
	[tilespmem:$0xF28] =	vst v63  }
0xd5: {  	_ =	swait.ge [sflag:s7], $0x80  }
0xd6: {  	[sflag:s7] =	ssyncset.done $0x0  }
0xd7: {  	[sflag:s7] =	ssyncadd.s32 $0xFFFFFF80  }
0xd8: {  	[spmem:s2] =	stream.indirect.scatter.add.f32 [tilespmem:s16], [sflag:$0x8], $0x1, s31, s23, $0xb8;
	[tilespmem:$0xF28] =	vst v63  }
0xd9: {  	_ =	swait.ge [sflag:s10], $0x80  }
0xda: {  	[sflag:s10] =	ssyncset.done $0x0  }
0xdb: {  	[sflag:s10] =	ssyncadd.s32 $0xFFFFFF80  }
0xdc: {  	_ =	swait.ge [sflag:s11], $0x80  }
0xdd: {  	s9 =	sadd.s32 $0x80, s9;
	[sflag:s11] =	ssyncset.done $0x0  }
0xde: {  	p1 =	sne.s32 s9, $0xA00;
	[sflag:s11] =	ssyncadd.s32 $0xFFFFFF80  }
.Ltmp0:
0xdf: {  	_ =	swait.ge [sflag:s12], $0x80;
	(pc) =	sbr.rel @p1 .LBB2_2-.Ltmp0, $4  }
0xe0: {  	[sflag:s12] =	ssyncset.done $0x0  }
0xe1: {  	[sflag:s12] =	ssyncadd.s32 $0xFFFFFF80  }
0xe2: {  	_ =	swait.ge [sflag:s13], $0x80  }
0xe3: {  	[sflag:s13] =	ssyncset.done $0x0  }
0xe4: {  	[sflag:s13] =	ssyncadd.s32 $0xFFFFFF80  }
0xe5: {  	[bflag:$0x0] =	sbarrier.arrive $0xFFFF  }
0xe6: {  	s6 =	simm.s32 @p0 $0x9A8;
	s8 =	simm.s32 @p0 $0x11;
	s17 =	rddreg [dreg:$0x10]  }
0xe7: {  	[tilespmem:s6], [sflag:$0x11] =	stream.linear.gather @p0 [spmem:s17], $0x540, $0x38;
	[tilespmem:$0xF28] =	vst v63  }
0xe8: {  	_ =	swait.ge @p0 [sflag:s8], $0x540  }
0xe9: {  	[sflag:s8] =	ssyncset.done @p0 $0x0  }
0xea: {  	s9 =	simm.s32 @p0 $0x0;
	s14 =	rddreg [dreg:$0x16];
	[sflag:s8] =	ssyncadd.s32 @p0 $0xFFFFFAC0  }
0xeb: {  	[hbm4b:s14+s9] =	stream.linear.scatter @p0 [tilespmem:s6], [sflag:$0x11], $0x540, $0x38;
	[tilespmem:$0xF28] =	vst v63  }
0xec: {  	_ =	swait.ge @p0 [sflag:s8], $0x540  }
0xed: {  	s6 =	simm.s32 @!p0 $0x9A8;
	[sflag:s8] =	ssyncset.done @p0 $0x0  }
0xee: {  	s14 =	rddreg [dreg:$0xe];
	[sflag:s8] =	ssyncadd.s32 @p0 $0xFFFFFAC0;
	s8 =	simm.s32 @!p0 $0x11  }
0xef: {  	[tilespmem:s6], [sflag:$0x11] =	stream.linear.gather @!p0 [spmem:s14], $0x520, $0x38;
	[tilespmem:$0xF28] =	vst v63  }
0xf0: {  	_ =	swait.ge @!p0 [sflag:s8], $0x520  }
0xf1: {  	[sflag:s8] =	ssyncset.done @!p0 $0x0  }
0xf2: {  	s9 =	simm.s32 @!p0 $0x0;
	s15 =	rddreg [dreg:$0x15];
	[sflag:s8] =	ssyncadd.s32 @!p0 $0xFFFFFAE0  }
0xf3: {  	[hbm4b:s15+s9] =	stream.linear.scatter @!p0 [tilespmem:s6], [sflag:$0x11], $0x520, $0x38;
	[tilespmem:$0xF28] =	vst v63  }
0xf4: {  	_ =	swait.ge @!p0 [sflag:s8], $0x520  }
0xf5: {  	s6 =	rddreg [dreg:$0x18]  }
0xf6: {  	s15 =	rddreg [dreg:$0x17];
	s9 =	sadd.s32 $0x1, s6  }
0xf7: {  	p1 =	sne.s32 s9, s15  }
.Ltmp1:
0xf8: {  	_ = 	snop;
	(pc) =	sbr.rel @p1 .LBB2_1-.Ltmp1, $3  }
0xf9: {  	_ =	sdelay $0x1  }
0xfa: {  	[sflag:s8] =	ssyncset.done @!p0 $0x0  }
0xfb: {  	[sflag:s8] =	ssyncadd.s32 @!p0 $0xFFFFFAE0  }
0xfc: {  	_ =	sfence.sel $0x180000  }
0xfd: {  	[bflag:$0x0] =	sbarrier.arrive $0xFFFF  }
0xfe: {  	_ =	strace $0x90000047  }
0xff: {  	s0 =	stileid.u32;
	[bflag:$0x2] =	sbarrier.arrive $0xFFFF  }
0x100: {  	p0 =	sne.s32 s0, $0x0;
	s0 =	rddreg [dreg:$0x3]  }
0x101: {  	s0 =	sadd.s32 @!p0 $0x100000, s0  }
0x102: {  	[sflag:s0] =	ssyncadd.tile.s32 @!p0 $0x1;
	_ =	shalt  }
.Lfunc_end2:
_tile_overlayer_lowered:
.L_overlay_start_2:
0x103: {  	(tag) =	ssettag $0x2  }
0x104: {  	s0 =	rddreg [dreg:$0x0];
	s2 =	stileid.u32  }
0x105: {  	s1 =	rddreg [dreg:$0x1];
	p0 =	sne.s32 s2, $0x0  }
0x106: {  	s3 =	rddreg [dreg:$0x2];
	[bflag:$0x3] =	sbarrier.arrive $0xFFFF;
	s2 =	simm.s32 @!p0 $0x1C11  }
0x107: {  	[timem:s3], [sflag:s2] =	dma.local @!p0 [hbm:s0], s1  }
0x108: {  	s0 =	simm.s32 @!p0 $0x11  }
0x109: {  	_ =	swait.ge @!p0 [sflag:s0], s1  }
0x10a: {  	s1 =	ssub.s32 @!p0 $0x0, s1;
	[sflag:s0] =	ssyncset.done @!p0 $0x0  }
0x10b: {  	[sflag:s0] =	ssyncadd.s32 @!p0 s1  }
0x10c: {  	[bflag:$0x3] =	sbarrier.arrive $0xFFFF  }
0x10d: {  	_ =	shalt  }

</sc_bundles>
